<compile_context>
chip_gen: v7x
topology: tpu7x:2x2x1
jax: 0.10.2.dev20260603
libtpu: 0.0.44.dev20260713+nightly
codegen_flags: <defaults>
</compile_context>

<pallas_src>
import functools
import jax
import jax.numpy as jnp
from jax import lax
from jax.experimental import pallas as pl
from jax.experimental.pallas import tpu as pltpu
from jax.experimental.pallas import tpu_sc as plsc

N, T, P, D = 16, 288, 325, 64
R = N * T * P
NW = 32
RW = R // NW
C = 1200
NCH = RW // C

_mesh = plsc.VectorSubcoreMesh(core_axis_name="c", subcore_axis_name="s")


@functools.partial(
    pl.kernel, mesh=_mesh,
    out_type=jax.ShapeDtypeStruct((R * D,), jnp.float32),
    scratch_types=[
        pltpu.VMEM((C + 16,), jnp.float32),
        pltpu.VMEM((C + 16,), jnp.float32),
        pltpu.VMEM((C + 16,), jnp.float32),
        pltpu.VMEM((C + 16,), jnp.float32),
        pltpu.VMEM((C * D,), jnp.float32),
        pltpu.VMEM((5 * D,), jnp.float32),
    ],
)
def _sc_embed(vf, tf, mf, wf, out_hbm, vv, tv, mv, s2v, ov, wvm):
    wid = lax.axis_index("s") * 2 + lax.axis_index("c")
    base0 = wid * RW
    pltpu.sync_copy(wf, wvm.at[pl.ds(0, 5 * D)])
    wt = [wvm[pl.ds(16 * j, 16)] for j in range(4)]
    wv4 = [wvm[pl.ds(D + 16 * j, 16)] for j in range(4)]
    a2 = [wvm[pl.ds(2 * D + 16 * j, 16)] for j in range(4)]
    a3 = [wvm[pl.ds(3 * D + 16 * j, 16)] for j in range(4)]
    c1 = [wvm[pl.ds(4 * D + 16 * j, 16)] for j in range(4)]

    def chunk_body(ci, carry):
        base = base0 + ci * C
        pltpu.sync_copy(vf.at[pl.ds(base, C)], vv.at[pl.ds(0, C)])
        pltpu.sync_copy(tf.at[pl.ds(base, C)], tv.at[pl.ds(0, C)])
        pltpu.sync_copy(mf.at[pl.ds(base, C)], mv.at[pl.ds(0, C)])

        def coeff_body(g, carry2):
            sl = pl.ds(g * 16, 16)
            v16 = vv[sl]
            m16 = mv[sl]
            inv = jnp.isnan(v16)
            invf = jnp.where(inv, 1.0, 0.0)
            vv[sl] = jnp.where(inv, 0.0, v16) * m16
            s2v[sl] = 1.0 - m16
            mv[sl] = m16 * invf
            return carry2

        lax.fori_loop(0, C // 16, coeff_body, 0)

        def row_body(i, carry2):
            for k in range(2):
                r = i * 2 + k
                t_s = tv[pl.ds(r, 16)][0]
                u_s = vv[pl.ds(r, 16)][0]
                s2_s = s2v[pl.ds(r, 16)][0]
                s3_s = mv[pl.ds(r, 16)][0]
                for j in range(4):
                    acc = (c1[j] + t_s * wt[j] + u_s * wv4[j]
                           + s2_s * a2[j] + s3_s * a3[j])
                    ov[pl.ds(r * 64 + 16 * j, 16)] = acc
            return carry2

        lax.fori_loop(0, C // 2, row_body, 0)
        pltpu.sync_copy(ov, out_hbm.at[pl.ds(base * 64, C * 64)])
        return carry

    lax.fori_loop(0, NCH, chunk_body, 0)


def kernel(x, monitor_mask, time_emb_w, time_emb_b, value_emb_w, value_emb_b,
           empty_token, unmonitored_token):
    vf = x[..., 0].reshape(R)
    tf = x[..., 1].reshape(R)
    mf = monitor_mask.astype(jnp.float32).reshape(R)
    wt = time_emb_w.reshape(D)
    wv = value_emb_w.reshape(D)
    bt = time_emb_b.reshape(D)
    bv = value_emb_b.reshape(D)
    a2 = unmonitored_token - bv
    a3 = empty_token - bv
    c1 = bt + bv
    wf = jnp.concatenate([wt, wv, a2, a3, c1])
    out = _sc_embed(vf, tf, mf, wf)
    return out.reshape(N, T, P, D)

# --- scband reference (transcript-rebuilt; emitter-appended) ---
"""Pipeline reference for scband-value-embedding-317827580657 (READ-ONLY COPY).

The authoritative reference and input builder live on the scoring server;
editing this copy changes nothing except your own understanding.
"""

import jax, jax.numpy as jnp
import numpy as np

N, T, P = 16, 288, 325
D_MODEL = 64

def setup_inputs(seed: int = 0) -> dict:
    key = jax.random.key(seed)
    k1, k2, k3, k4, k5, k6, k7, k8 = jax.random.split(key, 8)
    x = jax.random.normal(k1, (N, T, P, 2), dtype=jnp.float32)
    monitor_mask = jax.random.randint(k2, (N, T, P), 0, 2) > 0
    time_emb_w = jax.random.normal(k3, (1, D_MODEL), dtype=jnp.float32)
    time_emb_b = jax.random.normal(k4, (1, D_MODEL), dtype=jnp.float32)
    value_emb_w = jax.random.normal(k5, (1, D_MODEL), dtype=jnp.float32)
    value_emb_b = jax.random.normal(k6, (1, D_MODEL), dtype=jnp.float32)
    empty_token = jax.random.normal(k7, (D_MODEL,), dtype=jnp.float32)
    unmonitored_token = jax.random.normal(k8, (D_MODEL,), dtype=jnp.float32)
    return {
        'x': x,
        'monitor_mask': monitor_mask,
        'time_emb_w': time_emb_w,
        'time_emb_b': time_emb_b,
        'value_emb_w': value_emb_w,
        'value_emb_b': value_emb_b,
        'empty_token': empty_token,
        'unmonitored_token': unmonitored_token,
    }

def reference(x, monitor_mask, time_emb_w, time_emb_b, value_emb_w, value_emb_b, empty_token, unmonitored_token):
    value = x[..., 0]
    time = x[..., 1]
    # time embedding: (N,T,P,1) * (1,D) + (1,D) -> (N,T,P,D)
    time_emb = time[..., None] * time_emb_w + time_emb_b
    # invalid values are NaN (invalid_value defaults to nan)
    invalid_mask = jnp.isnan(value)
    # linear value embedding computed only where valid; zero out invalid slots first
    # (torch never computes at invalid positions -- avoids NaN propagation)
    safe_value = jnp.where(invalid_mask, 0.0, value)
    value_emb = safe_value[..., None] * value_emb_w + value_emb_b
    # monitor_mask provided: unmonitored positions get unmonitored_token,
    # monitored-but-empty positions get empty_token (sequential overwrite semantics;
    # the two regions are disjoint so order-independent here)
    value_emb = jnp.where(~monitor_mask[..., None], unmonitored_token, value_emb)
    value_emb = jnp.where((invalid_mask & monitor_mask)[..., None], empty_token, value_emb)
    emb = time_emb + value_emb
    return emb

if __name__ == "__main__":
    import jax
    _d = setup_inputs()
    print(jax.jit(kernel)(*tuple(_d.values())))

</pallas_src>

<mosaic_0001>
#map = affine_map<(d0, d1) -> (0)>
module attributes {stable_mosaic.version = 14 : i64} {
  func.func @_sc_embed(%arg0: i32, %arg1: i32, %arg2: memref<1497600xf32, #tpu.memory_space<hbm>>, %arg3: memref<1497600xf32, #tpu.memory_space<hbm>>, %arg4: memref<1497600xf32, #tpu.memory_space<hbm>>, %arg5: memref<320xf32, #tpu.memory_space<hbm>>, %arg6: memref<95846400xf32, #tpu.memory_space<hbm>>, %arg7: memref<1216xf32, #tpu.memory_space<vmem>>, %arg8: memref<1216xf32, #tpu.memory_space<vmem>>, %arg9: memref<1216xf32, #tpu.memory_space<vmem>>, %arg10: memref<1216xf32, #tpu.memory_space<vmem>>, %arg11: memref<76800xf32, #tpu.memory_space<vmem>>, %arg12: memref<320xf32, #tpu.memory_space<vmem>>) attributes {dimension_semantics = [#tpu.dimension_semantics<core_parallel>, #tpu.dimension_semantics<subcore_parallel>], iteration_bounds = array<i64: 2, 16>, scalar_prefetch = 0 : i64, scratch_operands = 6 : i64, tpu.core_type = #tpu.core_type<sc_vector_subcore>, window_params = [{transform_indices = #map}, {transform_indices = #map}, {transform_indices = #map}, {transform_indices = #map}, {transform_indices = #map}]} {
    %mul3A = arith.constant 2 : i32
    %mul3A_0 = arith.muli %arg1, %mul3A : i32
    %add3A = arith.addi %mul3A_0, %arg0 : i32
    %mul3A_1 = arith.constant 46800 : i32
    %mul3A_2 = arith.muli %add3A, %mul3A_1 : i32
    "tpu.region"() ({
      %run_scoped3A = tpu.sem_alloc : memref<!tpu.dma_semaphore, #tpu.memory_space<semaphore_mem>>
      %dma_start3A = arith.constant 0 : i32
      %dma_start3A_67 = tpu.memref_slice %arg12[%dma_start3A] : memref<320xf32, #tpu.memory_space<vmem>> -> memref<320xf32, #tpu.memory_space<vmem>>
      %dma_start3A_68 = arith.constant 0 : i32
      %dma_start3A_69 = tpu.memref_slice %arg12[%dma_start3A_68] : memref<320xf32, #tpu.memory_space<vmem>> -> memref<320xf32, #tpu.memory_space<vmem>>
      tpu.enqueue_dma source(%arg5 : memref<320xf32, #tpu.memory_space<hbm>>) target(%dma_start3A_69 : memref<320xf32, #tpu.memory_space<vmem>>) target_semaphore(%run_scoped3A : memref<!tpu.dma_semaphore, #tpu.memory_space<semaphore_mem>>)
      %dma_wait3A = arith.constant 0 : i32
      %dma_wait3A_70 = tpu.memref_slice %arg12[%dma_wait3A] : memref<320xf32, #tpu.memory_space<vmem>> -> memref<320xf32, #tpu.memory_space<vmem>>
      %dma_wait3A_71 = arith.constant 0 : i32
      %dma_wait3A_72 = tpu.memref_slice %arg12[%dma_wait3A_71] : memref<320xf32, #tpu.memory_space<vmem>> -> memref<320xf32, #tpu.memory_space<vmem>>
      tpu.wait_dma2 semaphore(%run_scoped3A : memref<!tpu.dma_semaphore, #tpu.memory_space<semaphore_mem>>) src(%arg5 : memref<320xf32, #tpu.memory_space<hbm>>) dst(%dma_wait3A_72 : memref<320xf32, #tpu.memory_space<vmem>>)
      tpu.yield
    }) : () -> ()
    %get3A = arith.constant 0 : index
    %get3A_3 = tpu.vector_load %arg12[%get3A] {strides = array<i32>} : memref<320xf32, #tpu.memory_space<vmem>>, vector<16xf32>,
    %get3A_4 = vector.shape_cast %get3A_3 : vector<16xf32> to vector<16xf32>
    %get3A_5 = arith.constant 16 : index
    %get3A_6 = tpu.vector_load %arg12[%get3A_5] {strides = array<i32>} : memref<320xf32, #tpu.memory_space<vmem>>, vector<16xf32>,
    %get3A_7 = vector.shape_cast %get3A_6 : vector<16xf32> to vector<16xf32>
    %get3A_8 = arith.constant 32 : index
    %get3A_9 = tpu.vector_load %arg12[%get3A_8] {strides = array<i32>} : memref<320xf32, #tpu.memory_space<vmem>>, vector<16xf32>,
    %get3A_10 = vector.shape_cast %get3A_9 : vector<16xf32> to vector<16xf32>
    %get3A_11 = arith.constant 48 : index
    %get3A_12 = tpu.vector_load %arg12[%get3A_11] {strides = array<i32>} : memref<320xf32, #tpu.memory_space<vmem>>, vector<16xf32>,
    %get3A_13 = vector.shape_cast %get3A_12 : vector<16xf32> to vector<16xf32>
    %get3A_14 = arith.constant 64 : index
    %get3A_15 = tpu.vector_load %arg12[%get3A_14] {strides = array<i32>} : memref<320xf32, #tpu.memory_space<vmem>>, vector<16xf32>,
    %get3A_16 = vector.shape_cast %get3A_15 : vector<16xf32> to vector<16xf32>
    %get3A_17 = arith.constant 80 : index
    %get3A_18 = tpu.vector_load %arg12[%get3A_17] {strides = array<i32>} : memref<320xf32, #tpu.memory_space<vmem>>, vector<16xf32>,
    %get3A_19 = vector.shape_cast %get3A_18 : vector<16xf32> to vector<16xf32>
    %get3A_20 = arith.constant 96 : index
    %get3A_21 = tpu.vector_load %arg12[%get3A_20] {strides = array<i32>} : memref<320xf32, #tpu.memory_space<vmem>>, vector<16xf32>,
    %get3A_22 = vector.shape_cast %get3A_21 : vector<16xf32> to vector<16xf32>
    %get3A_23 = arith.constant 112 : index
    %get3A_24 = tpu.vector_load %arg12[%get3A_23] {strides = array<i32>} : memref<320xf32, #tpu.memory_space<vmem>>, vector<16xf32>,
    %get3A_25 = vector.shape_cast %get3A_24 : vector<16xf32> to vector<16xf32>
    %get3A_26 = arith.constant 128 : index
    %get3A_27 = tpu.vector_load %arg12[%get3A_26] {strides = array<i32>} : memref<320xf32, #tpu.memory_space<vmem>>, vector<16xf32>,
    %get3A_28 = vector.shape_cast %get3A_27 : vector<16xf32> to vector<16xf32>
    %get3A_29 = arith.constant 144 : index
    %get3A_30 = tpu.vector_load %arg12[%get3A_29] {strides = array<i32>} : memref<320xf32, #tpu.memory_space<vmem>>, vector<16xf32>,
    %get3A_31 = vector.shape_cast %get3A_30 : vector<16xf32> to vector<16xf32>
    %get3A_32 = arith.constant 160 : index
    %get3A_33 = tpu.vector_load %arg12[%get3A_32] {strides = array<i32>} : memref<320xf32, #tpu.memory_space<vmem>>, vector<16xf32>,
    %get3A_34 = vector.shape_cast %get3A_33 : vector<16xf32> to vector<16xf32>
    %get3A_35 = arith.constant 176 : index
    %get3A_36 = tpu.vector_load %arg12[%get3A_35] {strides = array<i32>} : memref<320xf32, #tpu.memory_space<vmem>>, vector<16xf32>,
    %get3A_37 = vector.shape_cast %get3A_36 : vector<16xf32> to vector<16xf32>
    %get3A_38 = arith.constant 192 : index
    %get3A_39 = tpu.vector_load %arg12[%get3A_38] {strides = array<i32>} : memref<320xf32, #tpu.memory_space<vmem>>, vector<16xf32>,
    %get3A_40 = vector.shape_cast %get3A_39 : vector<16xf32> to vector<16xf32>
    %get3A_41 = arith.constant 208 : index
    %get3A_42 = tpu.vector_load %arg12[%get3A_41] {strides = array<i32>} : memref<320xf32, #tpu.memory_space<vmem>>, vector<16xf32>,
    %get3A_43 = vector.shape_cast %get3A_42 : vector<16xf32> to vector<16xf32>
    %get3A_44 = arith.constant 224 : index
    %get3A_45 = tpu.vector_load %arg12[%get3A_44] {strides = array<i32>} : memref<320xf32, #tpu.memory_space<vmem>>, vector<16xf32>,
    %get3A_46 = vector.shape_cast %get3A_45 : vector<16xf32> to vector<16xf32>
    %get3A_47 = arith.constant 240 : index
    %get3A_48 = tpu.vector_load %arg12[%get3A_47] {strides = array<i32>} : memref<320xf32, #tpu.memory_space<vmem>>, vector<16xf32>,
    %get3A_49 = vector.shape_cast %get3A_48 : vector<16xf32> to vector<16xf32>
    %get3A_50 = arith.constant 256 : index
    %get3A_51 = tpu.vector_load %arg12[%get3A_50] {strides = array<i32>} : memref<320xf32, #tpu.memory_space<vmem>>, vector<16xf32>,
    %get3A_52 = vector.shape_cast %get3A_51 : vector<16xf32> to vector<16xf32>
    %get3A_53 = arith.constant 272 : index
    %get3A_54 = tpu.vector_load %arg12[%get3A_53] {strides = array<i32>} : memref<320xf32, #tpu.memory_space<vmem>>, vector<16xf32>,
    %get3A_55 = vector.shape_cast %get3A_54 : vector<16xf32> to vector<16xf32>
    %get3A_56 = arith.constant 288 : index
    %get3A_57 = tpu.vector_load %arg12[%get3A_56] {strides = array<i32>} : memref<320xf32, #tpu.memory_space<vmem>>, vector<16xf32>,
    %get3A_58 = vector.shape_cast %get3A_57 : vector<16xf32> to vector<16xf32>
    %get3A_59 = arith.constant 304 : index
    %get3A_60 = tpu.vector_load %arg12[%get3A_59] {strides = array<i32>} : memref<320xf32, #tpu.memory_space<vmem>>, vector<16xf32>,
    %get3A_61 = vector.shape_cast %get3A_60 : vector<16xf32> to vector<16xf32>
    %scan3A = arith.constant 0 : i32
    %scan3A_62 = arith.constant 0 : i32
    %scan3A_63 = arith.constant 39 : i32
    %scan3A_64 = arith.addi %scan3A_62, %scan3A_63 : i32
    %scan3A_65 = arith.constant 1 : i32
    scf.for %scan3A_67 = %scan3A_62 to %scan3A_64 step %scan3A_65  : i32 {
      %mul3A_68 = arith.constant 1200 : i32
      %mul3A_69 = arith.muli %scan3A_67, %mul3A_68 : i32
      %add3A_70 = arith.addi %mul3A_2, %mul3A_69 : i32
      "tpu.region"() ({
        %run_scoped3A = tpu.sem_alloc : memref<!tpu.dma_semaphore, #tpu.memory_space<semaphore_mem>>
        %dma_start3A = arith.constant 0 : i32
        %dma_start3A_85 = tpu.memref_slice %arg7[%dma_start3A] : memref<1216xf32, #tpu.memory_space<vmem>> -> memref<1200xf32, #tpu.memory_space<vmem>>
        %dma_start3A_86 = tpu.memref_slice %arg2[%add3A_70] : memref<1497600xf32, #tpu.memory_space<hbm>> -> memref<1200xf32, #tpu.memory_space<hbm>>
        %dma_start3A_87 = arith.constant 0 : i32
        %dma_start3A_88 = tpu.memref_slice %arg7[%dma_start3A_87] : memref<1216xf32, #tpu.memory_space<vmem>> -> memref<1200xf32, #tpu.memory_space<vmem>>
        %dma_start3A_89 = tpu.memref_slice %arg2[%add3A_70] : memref<1497600xf32, #tpu.memory_space<hbm>> -> memref<1200xf32, #tpu.memory_space<hbm>>
        tpu.enqueue_dma source(%dma_start3A_89 : memref<1200xf32, #tpu.memory_space<hbm>>) target(%dma_start3A_88 : memref<1200xf32, #tpu.memory_space<vmem>>) target_semaphore(%run_scoped3A : memref<!tpu.dma_semaphore, #tpu.memory_space<semaphore_mem>>)
        %dma_wait3A = arith.constant 0 : i32
        %dma_wait3A_90 = tpu.memref_slice %arg7[%dma_wait3A] : memref<1216xf32, #tpu.memory_space<vmem>> -> memref<1200xf32, #tpu.memory_space<vmem>>
        %dma_wait3A_91 = tpu.memref_slice %arg2[%add3A_70] : memref<1497600xf32, #tpu.memory_space<hbm>> -> memref<1200xf32, #tpu.memory_space<hbm>>
        %dma_wait3A_92 = arith.constant 0 : i32
        %dma_wait3A_93 = tpu.memref_slice %arg7[%dma_wait3A_92] : memref<1216xf32, #tpu.memory_space<vmem>> -> memref<1200xf32, #tpu.memory_space<vmem>>
        %dma_wait3A_94 = tpu.memref_slice %arg2[%add3A_70] : memref<1497600xf32, #tpu.memory_space<hbm>> -> memref<1200xf32, #tpu.memory_space<hbm>>
        tpu.wait_dma2 semaphore(%run_scoped3A : memref<!tpu.dma_semaphore, #tpu.memory_space<semaphore_mem>>) src(%dma_wait3A_94 : memref<1200xf32, #tpu.memory_space<hbm>>) dst(%dma_wait3A_93 : memref<1200xf32, #tpu.memory_space<vmem>>)
        tpu.yield
      }) : () -> ()
      "tpu.region"() ({
        %run_scoped3A = tpu.sem_alloc : memref<!tpu.dma_semaphore, #tpu.memory_space<semaphore_mem>>
        %dma_start3A = arith.constant 0 : i32
        %dma_start3A_85 = tpu.memref_slice %arg8[%dma_start3A] : memref<1216xf32, #tpu.memory_space<vmem>> -> memref<1200xf32, #tpu.memory_space<vmem>>
        %dma_start3A_86 = tpu.memref_slice %arg3[%add3A_70] : memref<1497600xf32, #tpu.memory_space<hbm>> -> memref<1200xf32, #tpu.memory_space<hbm>>
        %dma_start3A_87 = arith.constant 0 : i32
        %dma_start3A_88 = tpu.memref_slice %arg8[%dma_start3A_87] : memref<1216xf32, #tpu.memory_space<vmem>> -> memref<1200xf32, #tpu.memory_space<vmem>>
        %dma_start3A_89 = tpu.memref_slice %arg3[%add3A_70] : memref<1497600xf32, #tpu.memory_space<hbm>> -> memref<1200xf32, #tpu.memory_space<hbm>>
        tpu.enqueue_dma source(%dma_start3A_89 : memref<1200xf32, #tpu.memory_space<hbm>>) target(%dma_start3A_88 : memref<1200xf32, #tpu.memory_space<vmem>>) target_semaphore(%run_scoped3A : memref<!tpu.dma_semaphore, #tpu.memory_space<semaphore_mem>>)
        %dma_wait3A = arith.constant 0 : i32
        %dma_wait3A_90 = tpu.memref_slice %arg8[%dma_wait3A] : memref<1216xf32, #tpu.memory_space<vmem>> -> memref<1200xf32, #tpu.memory_space<vmem>>
        %dma_wait3A_91 = tpu.memref_slice %arg3[%add3A_70] : memref<1497600xf32, #tpu.memory_space<hbm>> -> memref<1200xf32, #tpu.memory_space<hbm>>
        %dma_wait3A_92 = arith.constant 0 : i32
        %dma_wait3A_93 = tpu.memref_slice %arg8[%dma_wait3A_92] : memref<1216xf32, #tpu.memory_space<vmem>> -> memref<1200xf32, #tpu.memory_space<vmem>>
        %dma_wait3A_94 = tpu.memref_slice %arg3[%add3A_70] : memref<1497600xf32, #tpu.memory_space<hbm>> -> memref<1200xf32, #tpu.memory_space<hbm>>
        tpu.wait_dma2 semaphore(%run_scoped3A : memref<!tpu.dma_semaphore, #tpu.memory_space<semaphore_mem>>) src(%dma_wait3A_94 : memref<1200xf32, #tpu.memory_space<hbm>>) dst(%dma_wait3A_93 : memref<1200xf32, #tpu.memory_space<vmem>>)
        tpu.yield
      }) : () -> ()
      "tpu.region"() ({
        %run_scoped3A = tpu.sem_alloc : memref<!tpu.dma_semaphore, #tpu.memory_space<semaphore_mem>>
        %dma_start3A = arith.constant 0 : i32
        %dma_start3A_85 = tpu.memref_slice %arg9[%dma_start3A] : memref<1216xf32, #tpu.memory_space<vmem>> -> memref<1200xf32, #tpu.memory_space<vmem>>
        %dma_start3A_86 = tpu.memref_slice %arg4[%add3A_70] : memref<1497600xf32, #tpu.memory_space<hbm>> -> memref<1200xf32, #tpu.memory_space<hbm>>
        %dma_start3A_87 = arith.constant 0 : i32
        %dma_start3A_88 = tpu.memref_slice %arg9[%dma_start3A_87] : memref<1216xf32, #tpu.memory_space<vmem>> -> memref<1200xf32, #tpu.memory_space<vmem>>
        %dma_start3A_89 = tpu.memref_slice %arg4[%add3A_70] : memref<1497600xf32, #tpu.memory_space<hbm>> -> memref<1200xf32, #tpu.memory_space<hbm>>
        tpu.enqueue_dma source(%dma_start3A_89 : memref<1200xf32, #tpu.memory_space<hbm>>) target(%dma_start3A_88 : memref<1200xf32, #tpu.memory_space<vmem>>) target_semaphore(%run_scoped3A : memref<!tpu.dma_semaphore, #tpu.memory_space<semaphore_mem>>)
        %dma_wait3A = arith.constant 0 : i32
        %dma_wait3A_90 = tpu.memref_slice %arg9[%dma_wait3A] : memref<1216xf32, #tpu.memory_space<vmem>> -> memref<1200xf32, #tpu.memory_space<vmem>>
        %dma_wait3A_91 = tpu.memref_slice %arg4[%add3A_70] : memref<1497600xf32, #tpu.memory_space<hbm>> -> memref<1200xf32, #tpu.memory_space<hbm>>
        %dma_wait3A_92 = arith.constant 0 : i32
        %dma_wait3A_93 = tpu.memref_slice %arg9[%dma_wait3A_92] : memref<1216xf32, #tpu.memory_space<vmem>> -> memref<1200xf32, #tpu.memory_space<vmem>>
        %dma_wait3A_94 = tpu.memref_slice %arg4[%add3A_70] : memref<1497600xf32, #tpu.memory_space<hbm>> -> memref<1200xf32, #tpu.memory_space<hbm>>
        tpu.wait_dma2 semaphore(%run_scoped3A : memref<!tpu.dma_semaphore, #tpu.memory_space<semaphore_mem>>) src(%dma_wait3A_94 : memref<1200xf32, #tpu.memory_space<hbm>>) dst(%dma_wait3A_93 : memref<1200xf32, #tpu.memory_space<vmem>>)
        tpu.yield
      }) : () -> ()
      %scan3A_71 = arith.constant 0 : i32
      %scan3A_72 = arith.constant 0 : i32
      %scan3A_73 = arith.constant 75 : i32
      %scan3A_74 = arith.addi %scan3A_72, %scan3A_73 : i32
      %scan3A_75 = arith.constant 1 : i32
      scf.for %scan3A_85 = %scan3A_72 to %scan3A_74 step %scan3A_75  : i32 {
        %mul3A_86 = arith.constant 16 : i32
        %mul3A_87 = arith.muli %scan3A_85, %mul3A_86 : i32
        %get3A_88 = arith.index_cast %mul3A_87 : i32 to index
        %get3A_89 = tpu.vector_load %arg7[%get3A_88] {strides = array<i32>} : memref<1216xf32, #tpu.memory_space<vmem>>, vector<16xf32>,
        %get3A_90 = vector.shape_cast %get3A_89 : vector<16xf32> to vector<16xf32>
        %get3A_91 = arith.index_cast %mul3A_87 : i32 to index
        %get3A_92 = tpu.vector_load %arg9[%get3A_91] {strides = array<i32>} : memref<1216xf32, #tpu.memory_space<vmem>>, vector<16xf32>,
        %get3A_93 = vector.shape_cast %get3A_92 : vector<16xf32> to vector<16xf32>
        %ne3A = arith.cmpf one, %get3A_90, %get3A_90 : vector<16xf32>
        %jit3A = arith.constant 1.000000e+00 : f32
        %jit3A_94 = arith.constant 0.000000e+00 : f32
        %broadcast_in_dim3A = vector.broadcast %jit3A : f32 to vector<16xf32>
        %broadcast_in_dim3A_95 = vector.broadcast %jit3A_94 : f32 to vector<16xf32>
        %select_n3A = arith.select %ne3A, %broadcast_in_dim3A, %broadcast_in_dim3A_95 : vector<16xi1>, vector<16xf32>
        %jit3A_96 = arith.constant 0.000000e+00 : f32
        %broadcast_in_dim3A_97 = vector.broadcast %jit3A_96 : f32 to vector<16xf32>
        %select_n3A_98 = arith.select %ne3A, %broadcast_in_dim3A_97, %get3A_90 : vector<16xi1>, vector<16xf32>
        %mul3A_99 = arith.mulf %select_n3A_98, %get3A_93 : vector<16xf32>
        %swap3A = arith.index_cast %mul3A_87 : i32 to index
        %swap3A_100 = tpu.vector_load %arg7[%swap3A] {strides = array<i32>} : memref<1216xf32, #tpu.memory_space<vmem>>, vector<16xf32>,
        %swap3A_101 = vector.shape_cast %swap3A_100 : vector<16xf32> to vector<16xf32>
        %swap3A_102 = vector.shape_cast %mul3A_99 : vector<16xf32> to vector<16xf32>
        tpu.vector_store %arg7[%swap3A], %swap3A_102 {strides = array<i32>} : memref<1216xf32, #tpu.memory_space<vmem>>, vector<16xf32>,
        %sub3A = arith.constant 1.000000e+00 : f32
        %sub3A_103 = vector.broadcast %sub3A : f32 to vector<16xf32>
        %sub3A_104 = arith.subf %sub3A_103, %get3A_93 : vector<16xf32>
        %swap3A_105 = arith.index_cast %mul3A_87 : i32 to index
        %swap3A_106 = tpu.vector_load %arg10[%swap3A_105] {strides = array<i32>} : memref<1216xf32, #tpu.memory_space<vmem>>, vector<16xf32>,
        %swap3A_107 = vector.shape_cast %swap3A_106 : vector<16xf32> to vector<16xf32>
        %swap3A_108 = vector.shape_cast %sub3A_104 : vector<16xf32> to vector<16xf32>
        tpu.vector_store %arg10[%swap3A_105], %swap3A_108 {strides = array<i32>} : memref<1216xf32, #tpu.memory_space<vmem>>, vector<16xf32>,
        %mul3A_109 = arith.mulf %get3A_93, %select_n3A : vector<16xf32>
        %swap3A_110 = arith.index_cast %mul3A_87 : i32 to index
        %swap3A_111 = tpu.vector_load %arg9[%swap3A_110] {strides = array<i32>} : memref<1216xf32, #tpu.memory_space<vmem>>, vector<16xf32>,
        %swap3A_112 = vector.shape_cast %swap3A_111 : vector<16xf32> to vector<16xf32>
        %swap3A_113 = vector.shape_cast %mul3A_109 : vector<16xf32> to vector<16xf32>
        tpu.vector_store %arg9[%swap3A_110], %swap3A_113 {strides = array<i32>} : memref<1216xf32, #tpu.memory_space<vmem>>, vector<16xf32>,
      }
      %scan3A_76 = arith.constant 75 : i32
      %scan3A_77 = arith.constant 0 : i32
      %scan3A_78 = arith.constant 0 : i32
      %scan3A_79 = arith.constant 600 : i32
      %scan3A_80 = arith.addi %scan3A_78, %scan3A_79 : i32
      %scan3A_81 = arith.constant 1 : i32
      scf.for %scan3A_85 = %scan3A_78 to %scan3A_80 step %scan3A_81  : i32 {
        %mul3A_86 = arith.constant 2 : i32
        %mul3A_87 = arith.muli %scan3A_85, %mul3A_86 : i32
        %add3A_88 = arith.constant 0 : i32
        %add3A_89 = arith.addi %mul3A_87, %add3A_88 : i32
        %get3A_90 = arith.index_cast %add3A_89 : i32 to index
        %get3A_91 = tpu.vector_load %arg8[%get3A_90] {strides = array<i32>} : memref<1216xf32, #tpu.memory_space<vmem>>, vector<16xf32>,
        %get3A_92 = vector.shape_cast %get3A_91 : vector<16xf32> to vector<16xf32>
        %slice3A = vector.extract_strided_slice %get3A_92 {offsets = [0], sizes = [1], strides = [1]} : vector<16xf32> to vector<1xf32>
        %squeeze3A = vector.extract %slice3A[0] : f32 from vector<1xf32>
        %get3A_93 = arith.index_cast %add3A_89 : i32 to index
        %get3A_94 = tpu.vector_load %arg7[%get3A_93] {strides = array<i32>} : memref<1216xf32, #tpu.memory_space<vmem>>, vector<16xf32>,
        %get3A_95 = vector.shape_cast %get3A_94 : vector<16xf32> to vector<16xf32>
        %slice3A_96 = vector.extract_strided_slice %get3A_95 {offsets = [0], sizes = [1], strides = [1]} : vector<16xf32> to vector<1xf32>
        %squeeze3A_97 = vector.extract %slice3A_96[0] : f32 from vector<1xf32>
        %get3A_98 = arith.index_cast %add3A_89 : i32 to index
        %get3A_99 = tpu.vector_load %arg10[%get3A_98] {strides = array<i32>} : memref<1216xf32, #tpu.memory_space<vmem>>, vector<16xf32>,
        %get3A_100 = vector.shape_cast %get3A_99 : vector<16xf32> to vector<16xf32>
        %slice3A_101 = vector.extract_strided_slice %get3A_100 {offsets = [0], sizes = [1], strides = [1]} : vector<16xf32> to vector<1xf32>
        %squeeze3A_102 = vector.extract %slice3A_101[0] : f32 from vector<1xf32>
        %get3A_103 = arith.index_cast %add3A_89 : i32 to index
        %get3A_104 = tpu.vector_load %arg9[%get3A_103] {strides = array<i32>} : memref<1216xf32, #tpu.memory_space<vmem>>, vector<16xf32>,
        %get3A_105 = vector.shape_cast %get3A_104 : vector<16xf32> to vector<16xf32>
        %slice3A_106 = vector.extract_strided_slice %get3A_105 {offsets = [0], sizes = [1], strides = [1]} : vector<16xf32> to vector<1xf32>
        %squeeze3A_107 = vector.extract %slice3A_106[0] : f32 from vector<1xf32>
        %mul3A_108 = vector.broadcast %squeeze3A : f32 to vector<16xf32>
        %mul3A_109 = arith.mulf %mul3A_108, %get3A_4 : vector<16xf32>
        %add3A_110 = arith.addf %get3A_52, %mul3A_109 : vector<16xf32>
        %mul3A_111 = vector.broadcast %squeeze3A_97 : f32 to vector<16xf32>
        %mul3A_112 = arith.mulf %mul3A_111, %get3A_16 : vector<16xf32>
        %add3A_113 = arith.addf %add3A_110, %mul3A_112 : vector<16xf32>
        %mul3A_114 = vector.broadcast %squeeze3A_102 : f32 to vector<16xf32>
        %mul3A_115 = arith.mulf %mul3A_114, %get3A_28 : vector<16xf32>
        %add3A_116 = arith.addf %add3A_113, %mul3A_115 : vector<16xf32>
        %mul3A_117 = vector.broadcast %squeeze3A_107 : f32 to vector<16xf32>
        %mul3A_118 = arith.mulf %mul3A_117, %get3A_40 : vector<16xf32>
        %add3A_119 = arith.addf %add3A_116, %mul3A_118 : vector<16xf32>
        %mul3A_120 = arith.constant 64 : i32
        %mul3A_121 = arith.muli %add3A_89, %mul3A_120 : i32
        %add3A_122 = arith.constant 0 : i32
        %add3A_123 = arith.addi %mul3A_121, %add3A_122 : i32
        %swap3A = arith.index_cast %add3A_123 : i32 to index
        %swap3A_124 = tpu.vector_load %arg11[%swap3A] {strides = array<i32>} : memref<76800xf32, #tpu.memory_space<vmem>>, vector<16xf32>,
        %swap3A_125 = vector.shape_cast %swap3A_124 : vector<16xf32> to vector<16xf32>
        %swap3A_126 = vector.shape_cast %add3A_119 : vector<16xf32> to vector<16xf32>
        tpu.vector_store %arg11[%swap3A], %swap3A_126 {strides = array<i32>} : memref<76800xf32, #tpu.memory_space<vmem>>, vector<16xf32>,
        %mul3A_127 = vector.broadcast %squeeze3A : f32 to vector<16xf32>
        %mul3A_128 = arith.mulf %mul3A_127, %get3A_7 : vector<16xf32>
        %add3A_129 = arith.addf %get3A_55, %mul3A_128 : vector<16xf32>
        %mul3A_130 = vector.broadcast %squeeze3A_97 : f32 to vector<16xf32>
        %mul3A_131 = arith.mulf %mul3A_130, %get3A_19 : vector<16xf32>
        %add3A_132 = arith.addf %add3A_129, %mul3A_131 : vector<16xf32>
        %mul3A_133 = vector.broadcast %squeeze3A_102 : f32 to vector<16xf32>
        %mul3A_134 = arith.mulf %mul3A_133, %get3A_31 : vector<16xf32>
        %add3A_135 = arith.addf %add3A_132, %mul3A_134 : vector<16xf32>
        %mul3A_136 = vector.broadcast %squeeze3A_107 : f32 to vector<16xf32>
        %mul3A_137 = arith.mulf %mul3A_136, %get3A_43 : vector<16xf32>
        %add3A_138 = arith.addf %add3A_135, %mul3A_137 : vector<16xf32>
        %mul3A_139 = arith.constant 64 : i32
        %mul3A_140 = arith.muli %add3A_89, %mul3A_139 : i32
        %add3A_141 = arith.constant 16 : i32
        %add3A_142 = arith.addi %mul3A_140, %add3A_141 : i32
        %swap3A_143 = arith.index_cast %add3A_142 : i32 to index
        %swap3A_144 = tpu.vector_load %arg11[%swap3A_143] {strides = array<i32>} : memref<76800xf32, #tpu.memory_space<vmem>>, vector<16xf32>,
        %swap3A_145 = vector.shape_cast %swap3A_144 : vector<16xf32> to vector<16xf32>
        %swap3A_146 = vector.shape_cast %add3A_138 : vector<16xf32> to vector<16xf32>
        tpu.vector_store %arg11[%swap3A_143], %swap3A_146 {strides = array<i32>} : memref<76800xf32, #tpu.memory_space<vmem>>, vector<16xf32>,
        %mul3A_147 = vector.broadcast %squeeze3A : f32 to vector<16xf32>
        %mul3A_148 = arith.mulf %mul3A_147, %get3A_10 : vector<16xf32>
        %add3A_149 = arith.addf %get3A_58, %mul3A_148 : vector<16xf32>
        %mul3A_150 = vector.broadcast %squeeze3A_97 : f32 to vector<16xf32>
        %mul3A_151 = arith.mulf %mul3A_150, %get3A_22 : vector<16xf32>
        %add3A_152 = arith.addf %add3A_149, %mul3A_151 : vector<16xf32>
        %mul3A_153 = vector.broadcast %squeeze3A_102 : f32 to vector<16xf32>
        %mul3A_154 = arith.mulf %mul3A_153, %get3A_34 : vector<16xf32>
        %add3A_155 = arith.addf %add3A_152, %mul3A_154 : vector<16xf32>
        %mul3A_156 = vector.broadcast %squeeze3A_107 : f32 to vector<16xf32>
        %mul3A_157 = arith.mulf %mul3A_156, %get3A_46 : vector<16xf32>
        %add3A_158 = arith.addf %add3A_155, %mul3A_157 : vector<16xf32>
        %mul3A_159 = arith.constant 64 : i32
        %mul3A_160 = arith.muli %add3A_89, %mul3A_159 : i32
        %add3A_161 = arith.constant 32 : i32
        %add3A_162 = arith.addi %mul3A_160, %add3A_161 : i32
        %swap3A_163 = arith.index_cast %add3A_162 : i32 to index
        %swap3A_164 = tpu.vector_load %arg11[%swap3A_163] {strides = array<i32>} : memref<76800xf32, #tpu.memory_space<vmem>>, vector<16xf32>,
        %swap3A_165 = vector.shape_cast %swap3A_164 : vector<16xf32> to vector<16xf32>
        %swap3A_166 = vector.shape_cast %add3A_158 : vector<16xf32> to vector<16xf32>
        tpu.vector_store %arg11[%swap3A_163], %swap3A_166 {strides = array<i32>} : memref<76800xf32, #tpu.memory_space<vmem>>, vector<16xf32>,
        %mul3A_167 = vector.broadcast %squeeze3A : f32 to vector<16xf32>
        %mul3A_168 = arith.mulf %mul3A_167, %get3A_13 : vector<16xf32>
        %add3A_169 = arith.addf %get3A_61, %mul3A_168 : vector<16xf32>
        %mul3A_170 = vector.broadcast %squeeze3A_97 : f32 to vector<16xf32>
        %mul3A_171 = arith.mulf %mul3A_170, %get3A_25 : vector<16xf32>
        %add3A_172 = arith.addf %add3A_169, %mul3A_171 : vector<16xf32>
        %mul3A_173 = vector.broadcast %squeeze3A_102 : f32 to vector<16xf32>
        %mul3A_174 = arith.mulf %mul3A_173, %get3A_37 : vector<16xf32>
        %add3A_175 = arith.addf %add3A_172, %mul3A_174 : vector<16xf32>
        %mul3A_176 = vector.broadcast %squeeze3A_107 : f32 to vector<16xf32>
        %mul3A_177 = arith.mulf %mul3A_176, %get3A_49 : vector<16xf32>
        %add3A_178 = arith.addf %add3A_175, %mul3A_177 : vector<16xf32>
        %mul3A_179 = arith.constant 64 : i32
        %mul3A_180 = arith.muli %add3A_89, %mul3A_179 : i32
        %add3A_181 = arith.constant 48 : i32
        %add3A_182 = arith.addi %mul3A_180, %add3A_181 : i32
        %swap3A_183 = arith.index_cast %add3A_182 : i32 to index
        %swap3A_184 = tpu.vector_load %arg11[%swap3A_183] {strides = array<i32>} : memref<76800xf32, #tpu.memory_space<vmem>>, vector<16xf32>,
        %swap3A_185 = vector.shape_cast %swap3A_184 : vector<16xf32> to vector<16xf32>
        %swap3A_186 = vector.shape_cast %add3A_178 : vector<16xf32> to vector<16xf32>
        tpu.vector_store %arg11[%swap3A_183], %swap3A_186 {strides = array<i32>} : memref<76800xf32, #tpu.memory_space<vmem>>, vector<16xf32>,
        %mul3A_187 = arith.constant 2 : i32
        %mul3A_188 = arith.muli %scan3A_85, %mul3A_187 : i32
        %add3A_189 = arith.constant 1 : i32
        %add3A_190 = arith.addi %mul3A_188, %add3A_189 : i32
        %get3A_191 = arith.index_cast %add3A_190 : i32 to index
        %get3A_192 = tpu.vector_load %arg8[%get3A_191] {strides = array<i32>} : memref<1216xf32, #tpu.memory_space<vmem>>, vector<16xf32>,
        %get3A_193 = vector.shape_cast %get3A_192 : vector<16xf32> to vector<16xf32>
        %slice3A_194 = vector.extract_strided_slice %get3A_193 {offsets = [0], sizes = [1], strides = [1]} : vector<16xf32> to vector<1xf32>
        %squeeze3A_195 = vector.extract %slice3A_194[0] : f32 from vector<1xf32>
        %get3A_196 = arith.index_cast %add3A_190 : i32 to index
        %get3A_197 = tpu.vector_load %arg7[%get3A_196] {strides = array<i32>} : memref<1216xf32, #tpu.memory_space<vmem>>, vector<16xf32>,
        %get3A_198 = vector.shape_cast %get3A_197 : vector<16xf32> to vector<16xf32>
        %slice3A_199 = vector.extract_strided_slice %get3A_198 {offsets = [0], sizes = [1], strides = [1]} : vector<16xf32> to vector<1xf32>
        %squeeze3A_200 = vector.extract %slice3A_199[0] : f32 from vector<1xf32>
        %get3A_201 = arith.index_cast %add3A_190 : i32 to index
        %get3A_202 = tpu.vector_load %arg10[%get3A_201] {strides = array<i32>} : memref<1216xf32, #tpu.memory_space<vmem>>, vector<16xf32>,
        %get3A_203 = vector.shape_cast %get3A_202 : vector<16xf32> to vector<16xf32>
        %slice3A_204 = vector.extract_strided_slice %get3A_203 {offsets = [0], sizes = [1], strides = [1]} : vector<16xf32> to vector<1xf32>
        %squeeze3A_205 = vector.extract %slice3A_204[0] : f32 from vector<1xf32>
        %get3A_206 = arith.index_cast %add3A_190 : i32 to index
        %get3A_207 = tpu.vector_load %arg9[%get3A_206] {strides = array<i32>} : memref<1216xf32, #tpu.memory_space<vmem>>, vector<16xf32>,
        %get3A_208 = vector.shape_cast %get3A_207 : vector<16xf32> to vector<16xf32>
        %slice3A_209 = vector.extract_strided_slice %get3A_208 {offsets = [0], sizes = [1], strides = [1]} : vector<16xf32> to vector<1xf32>
        %squeeze3A_210 = vector.extract %slice3A_209[0] : f32 from vector<1xf32>
        %mul3A_211 = vector.broadcast %squeeze3A_195 : f32 to vector<16xf32>
        %mul3A_212 = arith.mulf %mul3A_211, %get3A_4 : vector<16xf32>
        %add3A_213 = arith.addf %get3A_52, %mul3A_212 : vector<16xf32>
        %mul3A_214 = vector.broadcast %squeeze3A_200 : f32 to vector<16xf32>
        %mul3A_215 = arith.mulf %mul3A_214, %get3A_16 : vector<16xf32>
        %add3A_216 = arith.addf %add3A_213, %mul3A_215 : vector<16xf32>
        %mul3A_217 = vector.broadcast %squeeze3A_205 : f32 to vector<16xf32>
        %mul3A_218 = arith.mulf %mul3A_217, %get3A_28 : vector<16xf32>
        %add3A_219 = arith.addf %add3A_216, %mul3A_218 : vector<16xf32>
        %mul3A_220 = vector.broadcast %squeeze3A_210 : f32 to vector<16xf32>
        %mul3A_221 = arith.mulf %mul3A_220, %get3A_40 : vector<16xf32>
        %add3A_222 = arith.addf %add3A_219, %mul3A_221 : vector<16xf32>
        %mul3A_223 = arith.constant 64 : i32
        %mul3A_224 = arith.muli %add3A_190, %mul3A_223 : i32
        %add3A_225 = arith.constant 0 : i32
        %add3A_226 = arith.addi %mul3A_224, %add3A_225 : i32
        %swap3A_227 = arith.index_cast %add3A_226 : i32 to index
        %swap3A_228 = tpu.vector_load %arg11[%swap3A_227] {strides = array<i32>} : memref<76800xf32, #tpu.memory_space<vmem>>, vector<16xf32>,
        %swap3A_229 = vector.shape_cast %swap3A_228 : vector<16xf32> to vector<16xf32>
        %swap3A_230 = vector.shape_cast %add3A_222 : vector<16xf32> to vector<16xf32>
        tpu.vector_store %arg11[%swap3A_227], %swap3A_230 {strides = array<i32>} : memref<76800xf32, #tpu.memory_space<vmem>>, vector<16xf32>,
        %mul3A_231 = vector.broadcast %squeeze3A_195 : f32 to vector<16xf32>
        %mul3A_232 = arith.mulf %mul3A_231, %get3A_7 : vector<16xf32>
        %add3A_233 = arith.addf %get3A_55, %mul3A_232 : vector<16xf32>
        %mul3A_234 = vector.broadcast %squeeze3A_200 : f32 to vector<16xf32>
        %mul3A_235 = arith.mulf %mul3A_234, %get3A_19 : vector<16xf32>
        %add3A_236 = arith.addf %add3A_233, %mul3A_235 : vector<16xf32>
        %mul3A_237 = vector.broadcast %squeeze3A_205 : f32 to vector<16xf32>
        %mul3A_238 = arith.mulf %mul3A_237, %get3A_31 : vector<16xf32>
        %add3A_239 = arith.addf %add3A_236, %mul3A_238 : vector<16xf32>
        %mul3A_240 = vector.broadcast %squeeze3A_210 : f32 to vector<16xf32>
        %mul3A_241 = arith.mulf %mul3A_240, %get3A_43 : vector<16xf32>
        %add3A_242 = arith.addf %add3A_239, %mul3A_241 : vector<16xf32>
        %mul3A_243 = arith.constant 64 : i32
        %mul3A_244 = arith.muli %add3A_190, %mul3A_243 : i32
        %add3A_245 = arith.constant 16 : i32
        %add3A_246 = arith.addi %mul3A_244, %add3A_245 : i32
        %swap3A_247 = arith.index_cast %add3A_246 : i32 to index
        %swap3A_248 = tpu.vector_load %arg11[%swap3A_247] {strides = array<i32>} : memref<76800xf32, #tpu.memory_space<vmem>>, vector<16xf32>,
        %swap3A_249 = vector.shape_cast %swap3A_248 : vector<16xf32> to vector<16xf32>
        %swap3A_250 = vector.shape_cast %add3A_242 : vector<16xf32> to vector<16xf32>
        tpu.vector_store %arg11[%swap3A_247], %swap3A_250 {strides = array<i32>} : memref<76800xf32, #tpu.memory_space<vmem>>, vector<16xf32>,
        %mul3A_251 = vector.broadcast %squeeze3A_195 : f32 to vector<16xf32>
        %mul3A_252 = arith.mulf %mul3A_251, %get3A_10 : vector<16xf32>
        %add3A_253 = arith.addf %get3A_58, %mul3A_252 : vector<16xf32>
        %mul3A_254 = vector.broadcast %squeeze3A_200 : f32 to vector<16xf32>
        %mul3A_255 = arith.mulf %mul3A_254, %get3A_22 : vector<16xf32>
        %add3A_256 = arith.addf %add3A_253, %mul3A_255 : vector<16xf32>
        %mul3A_257 = vector.broadcast %squeeze3A_205 : f32 to vector<16xf32>
        %mul3A_258 = arith.mulf %mul3A_257, %get3A_34 : vector<16xf32>
        %add3A_259 = arith.addf %add3A_256, %mul3A_258 : vector<16xf32>
        %mul3A_260 = vector.broadcast %squeeze3A_210 : f32 to vector<16xf32>
        %mul3A_261 = arith.mulf %mul3A_260, %get3A_46 : vector<16xf32>
        %add3A_262 = arith.addf %add3A_259, %mul3A_261 : vector<16xf32>
        %mul3A_263 = arith.constant 64 : i32
        %mul3A_264 = arith.muli %add3A_190, %mul3A_263 : i32
        %add3A_265 = arith.constant 32 : i32
        %add3A_266 = arith.addi %mul3A_264, %add3A_265 : i32
        %swap3A_267 = arith.index_cast %add3A_266 : i32 to index
        %swap3A_268 = tpu.vector_load %arg11[%swap3A_267] {strides = array<i32>} : memref<76800xf32, #tpu.memory_space<vmem>>, vector<16xf32>,
        %swap3A_269 = vector.shape_cast %swap3A_268 : vector<16xf32> to vector<16xf32>
        %swap3A_270 = vector.shape_cast %add3A_262 : vector<16xf32> to vector<16xf32>
        tpu.vector_store %arg11[%swap3A_267], %swap3A_270 {strides = array<i32>} : memref<76800xf32, #tpu.memory_space<vmem>>, vector<16xf32>,
        %mul3A_271 = vector.broadcast %squeeze3A_195 : f32 to vector<16xf32>
        %mul3A_272 = arith.mulf %mul3A_271, %get3A_13 : vector<16xf32>
        %add3A_273 = arith.addf %get3A_61, %mul3A_272 : vector<16xf32>
        %mul3A_274 = vector.broadcast %squeeze3A_200 : f32 to vector<16xf32>
        %mul3A_275 = arith.mulf %mul3A_274, %get3A_25 : vector<16xf32>
        %add3A_276 = arith.addf %add3A_273, %mul3A_275 : vector<16xf32>
        %mul3A_277 = vector.broadcast %squeeze3A_205 : f32 to vector<16xf32>
        %mul3A_278 = arith.mulf %mul3A_277, %get3A_37 : vector<16xf32>
        %add3A_279 = arith.addf %add3A_276, %mul3A_278 : vector<16xf32>
        %mul3A_280 = vector.broadcast %squeeze3A_210 : f32 to vector<16xf32>
        %mul3A_281 = arith.mulf %mul3A_280, %get3A_49 : vector<16xf32>
        %add3A_282 = arith.addf %add3A_279, %mul3A_281 : vector<16xf32>
        %mul3A_283 = arith.constant 64 : i32
        %mul3A_284 = arith.muli %add3A_190, %mul3A_283 : i32
        %add3A_285 = arith.constant 48 : i32
        %add3A_286 = arith.addi %mul3A_284, %add3A_285 : i32
        %swap3A_287 = arith.index_cast %add3A_286 : i32 to index
        %swap3A_288 = tpu.vector_load %arg11[%swap3A_287] {strides = array<i32>} : memref<76800xf32, #tpu.memory_space<vmem>>, vector<16xf32>,
        %swap3A_289 = vector.shape_cast %swap3A_288 : vector<16xf32> to vector<16xf32>
        %swap3A_290 = vector.shape_cast %add3A_282 : vector<16xf32> to vector<16xf32>
        tpu.vector_store %arg11[%swap3A_287], %swap3A_290 {strides = array<i32>} : memref<76800xf32, #tpu.memory_space<vmem>>, vector<16xf32>,
      }
      %scan3A_82 = arith.constant 600 : i32
      %mul3A_83 = arith.constant 64 : i32
      %mul3A_84 = arith.muli %add3A_70, %mul3A_83 : i32
      "tpu.region"() ({
        %run_scoped3A = tpu.sem_alloc : memref<!tpu.dma_semaphore, #tpu.memory_space<semaphore_mem>>
        %dma_start3A = tpu.memref_slice %arg6[%mul3A_84] : memref<95846400xf32, #tpu.memory_space<hbm>> -> memref<76800xf32, #tpu.memory_space<hbm>>
        %dma_start3A_85 = tpu.memref_slice %arg6[%mul3A_84] : memref<95846400xf32, #tpu.memory_space<hbm>> -> memref<76800xf32, #tpu.memory_space<hbm>>
        tpu.enqueue_dma source(%arg11 : memref<76800xf32, #tpu.memory_space<vmem>>) target(%dma_start3A_85 : memref<76800xf32, #tpu.memory_space<hbm>>) target_semaphore(%run_scoped3A : memref<!tpu.dma_semaphore, #tpu.memory_space<semaphore_mem>>)
        %dma_wait3A = tpu.memref_slice %arg6[%mul3A_84] : memref<95846400xf32, #tpu.memory_space<hbm>> -> memref<76800xf32, #tpu.memory_space<hbm>>
        %dma_wait3A_86 = tpu.memref_slice %arg6[%mul3A_84] : memref<95846400xf32, #tpu.memory_space<hbm>> -> memref<76800xf32, #tpu.memory_space<hbm>>
        tpu.wait_dma2 semaphore(%run_scoped3A : memref<!tpu.dma_semaphore, #tpu.memory_space<semaphore_mem>>) src(%arg11 : memref<76800xf32, #tpu.memory_space<vmem>>) dst(%dma_wait3A_86 : memref<76800xf32, #tpu.memory_space<hbm>>)
        tpu.yield
      }) : () -> ()
    }
    %scan3A_66 = arith.constant 39 : i32
    return
  }
}

</mosaic_0001>

<sc_bundles>
// kernel: kernel.3.cloned.1.call-start
scs
__scs_entry_jumppad:
0x0: {  	(pc) =	sbr.rel $0x88, $3  }
0x1: {  	(tag) =	ssettag $0x0;
	lr =	simm.s32 $0x1  }
0x2: {  	[smem:$0x3F99] =	sst lr;
	_ =	strace $0xD0000000  }
0x3: {  	_ = 	snop  }
0x4: {  	_ = 	snop  }
0x5: {  	_ = 	snop  }
0x6: {  	_ = 	snop  }
0x7: {  	_ = 	snop  }
__scs_overlays_trampoline_lowered:
0x8: {  	[smem:$0x3FA8] =	sst s0  }
0x9: {  	[smem:$0x3FA9] =	sst s1  }
0xa: {  	[smem:$0x3FAA] =	sst s2  }
0xb: {  	[smem:$0x3FAB] =	sst s3  }
0xc: {  	[smem:$0x3FAC] =	sst s4  }
0xd: {  	[smem:$0x3FAD] =	sst s5  }
0xe: {  	[smem:$0x3FAE] =	sst s6  }
0xf: {  	[smem:$0x3FAF] =	sst s7  }
0x10: {  	[smem:$0x3FB0] =	sst s8  }
0x11: {  	[smem:$0x3FB1] =	sst s9;
	s0 =	simm.s32 @!p0 $0x0  }
0x12: {  	s1 =	sld [smem:$0x3F97];
	s0 =	simm.s32 @p0 $0x1  }
0x13: {  	[smem:$0x3FB2] =	sst s0;
	s0 =	simm.s32 @!p1 $0x0  }
0x14: {  	s2 =	sld [smem:$0x3F96];
	s0 =	simm.s32 @p1 $0x1  }
0x15: {  	[smem:$0x3FB3] =	sst s0;
	s0 =	simm.s32 @!p2 $0x0  }
0x16: {  	s3 =	sld [smem:$0x3FDB];
	s0 =	simm.s32 @p2 $0x1  }
0x17: {  	s4 =	simm.s32 $0x1BF5;
	[smem:$0x3FB5] =	sst s0  }
0x18: {  	s0 =	sld [smem:$0x3F98];
	_ =	swait.ge [sflag:s4], $0x0  }
0x19: {  	s7 =	sld [smem:$0x3F99]  }
0x1a: {  	s8 =	sadd.s32 $0xFFFFE003, lr  }
0x1b: {  	s9 =	sadd.s32 $0xFFFFFEF7, lr;
	s5 =	simm.s32 $0xFFFFFFFF;
	p2 =	slt.u32 s8, $0xFFFFF086  }
0x1c: {  	p1 =	slt.u32 s9, $0xF7A;
	s5 =	simm.s32 @!p2 $0x0  }
0x1d: {  	s5 =	simm.s32 @p1 $0x1;
	p0 =	seq.s32 s7, s2  }
0x1e: {  	s7 =	smul.u32 @!p0 $0xF7A, s2;
	p2 =	seq.s32 @!p0 s5, $0x0  }
0x1f: {  	s9 =	smul.u32 $0xF7A, s1;
	s8 =	simm.s32 @!p0 $0x1BF5;
	p2 =	por !p2, p0  }
0x20: {  	[sflag:s8] =	ssyncset.s32 @!p0 $0xFFFFF086;
	s6 =	sadd.s32 @!p0 s3, s7;
	s7 =	simm.s32 @!p0 $0x108  }
0x21: {  	s3 =	sadd.s32 s3, s9;
	s6 =	sadd.s32 @!p0 $0x88, s6;
	s7 =	simm.s32 @p2 $0x1082  }
0x22: {  	[simem:s7], [sflag:s8] =	dma.local @!p0 [hbm:s6], $0xF7A  }
0x23: {  	s9 =	sor.u32 $0xD0000000, s2;
	s6 =	simm.s32 $0x108;
	_ =	swait.ge @!p0 [sflag:s8], $0x0  }
0x24: {  	s3 =	sadd.s32 $0x88, s3;
	s6 =	simm.s32 @!p1 $0x1082;
	[sflag:s4] =	ssyncset.s32 $0xFFFFF086  }
0x25: {  	[simem:s6], [sflag:s4] =	dma.local [hbm:s3], $0xF7A  }
0x26: {  	[smem:$0x3F99] =	sst s1;
	(tag) =	ssettag s2;
	_ =	strace s9  }
0x27: {  	s1 =	sld [smem:$0x3FA9]  }
0x28: {  	s2 =	sld [smem:$0x3FAA]  }
0x29: {  	s4 =	sld [smem:$0x3FAC]  }
0x2a: {  	p0 =	seq.s32 s5, $0x0;
	s5 =	sld [smem:$0x3FAD]  }
0x2b: {  	s6 =	sld [smem:$0x3FAE]  }
0x2c: {  	s7 =	sld [smem:$0x3FAF]  }
0x2d: {  	s3 =	simm.s32 $0x108;
	s8 =	sld [smem:$0x3FB0]  }
0x2e: {  	s3 =	simm.s32 @!p0 $0x1082;
	s9 =	sld [smem:$0x3FB1]  }
0x2f: {  	lr =	sadd.s32 s0, s3;
	s0 =	sld [smem:$0x3FA8]  }
0x30: {  	s3 =	sld [smem:$0x3FAB]  }
0x31: {  	[smem:$0x3FB4] =	sst s10  }
0x32: {  	s10 =	sld [smem:$0x3FB2];
	_ =	sdelay $0x3  }
0x33: {  	p0 =	seq.s32 s10, $0x1;
	s10 =	sld [smem:$0x3FB4];
	_ =	sdelay $0x3  }
0x34: {  	[smem:$0x3FB4] =	sst s10  }
0x35: {  	s10 =	sld [smem:$0x3FB3];
	_ =	sdelay $0x3  }
0x36: {  	p1 =	seq.s32 s10, $0x1;
	s10 =	sld [smem:$0x3FB4];
	_ =	sdelay $0x3  }
0x37: {  	[smem:$0x3FB4] =	sst s10  }
0x38: {  	s10 =	sld [smem:$0x3FB5]  }
0x39: {  	_ = 	snop;
	(pc) =	sbr.ind lr, $3  }
0x3a: {  	_ = 	snop  }
0x3b: {  	_ = 	snop  }
0x3c: {  	p2 =	seq.s32 s10, $0x1;
	s10 =	sld [smem:$0x3FB4]  }
0x3d: {  	_ =	shalt  }
0x3e: {  	_ =	shalt  }
0x3f: {  	_ =	shalt  }
0x40: {  	_ =	shalt  }
0x41: {  	_ =	shalt  }
0x42: {  	_ =	shalt  }
0x43: {  	_ =	shalt  }
0x44: {  	_ =	shalt  }
0x45: {  	_ =	shalt  }
0x46: {  	_ =	shalt  }
0x47: {  	_ =	shalt  }
0x48: {  	_ =	shalt  }
0x49: {  	_ =	shalt  }
0x4a: {  	_ =	shalt  }
0x4b: {  	_ =	shalt  }
0x4c: {  	_ =	shalt  }
0x4d: {  	_ =	shalt  }
0x4e: {  	_ =	shalt  }
0x4f: {  	_ =	shalt  }
0x50: {  	_ =	shalt  }
0x51: {  	_ =	shalt  }
0x52: {  	_ =	shalt  }
0x53: {  	_ =	shalt  }
0x54: {  	_ =	shalt  }
0x55: {  	_ =	shalt  }
0x56: {  	_ =	shalt  }
0x57: {  	_ =	shalt  }
0x58: {  	_ =	shalt  }
0x59: {  	_ =	shalt  }
0x5a: {  	_ =	shalt  }
0x5b: {  	_ =	shalt  }
0x5c: {  	_ =	shalt  }
0x5d: {  	_ =	shalt  }
0x5e: {  	_ =	shalt  }
0x5f: {  	_ =	shalt  }
0x60: {  	_ =	shalt  }
0x61: {  	_ =	shalt  }
0x62: {  	_ =	shalt  }
0x63: {  	_ =	shalt  }
0x64: {  	_ =	shalt  }
0x65: {  	_ =	shalt  }
0x66: {  	_ =	shalt  }
0x67: {  	_ =	shalt  }
0x68: {  	_ =	shalt  }
0x69: {  	_ =	shalt  }
0x6a: {  	_ =	shalt  }
0x6b: {  	_ =	shalt  }
0x6c: {  	_ =	shalt  }
0x6d: {  	_ =	shalt  }
0x6e: {  	_ =	shalt  }
0x6f: {  	_ =	shalt  }
0x70: {  	_ =	shalt  }
0x71: {  	_ =	shalt  }
0x72: {  	_ =	shalt  }
0x73: {  	_ =	shalt  }
0x74: {  	_ =	shalt  }
0x75: {  	_ =	shalt  }
0x76: {  	_ =	shalt  }
0x77: {  	_ =	shalt  }
0x78: {  	_ =	shalt  }
0x79: {  	_ =	shalt  }
0x7a: {  	_ =	shalt  }
0x7b: {  	_ =	shalt  }
0x7c: {  	_ =	shalt  }
0x7d: {  	_ =	shalt  }
0x7e: {  	_ =	shalt  }
0x7f: {  	_ =	shalt  }
0x80: {  	_ =	shalt  }
0x81: {  	_ =	shalt  }
0x82: {  	_ =	shalt  }
0x83: {  	_ =	shalt  }
0x84: {  	_ =	shalt  }
0x85: {  	_ =	shalt  }
0x86: {  	_ =	shalt  }
0x87: {  	_ =	shalt  }
.Lfunc_end0:
.L_simem_size_0:
called_computation.1_lowered:
.L_overlay_start_0:
0x88: {  	s2 =	sld [smem:$0x3FD9]  }
0x89: {  	s3 =	sld [smem:$0x3FFE];
	_ =	sdelay $0x1  }
0x8a: {  	s1 =	srdreg.scid  }
0x8b: {  	s0 =	sand.u32 $0x1, s1  }
0x8c: {  	s17 =	sshll.u32 s0, $0xA;
	s2 =	sadd.s32 s3, s2  }
0x8d: {  	s2 =	sadd.s32 s2, s17  }
0x8e: {  	[smem:$0x3FC0] =	sst s2  }
0x8f: {  	_ = 	snop  }
0x90: {  	s2 =	sld [smem:$0x3FD0];
	(tm) =	ssettm $0x1  }
0x91: {  	s18 =	sld [smem:$0x3FFB];
	_ =	sdelay $0x3  }
0x92: {  	_ =	strace s18  }
0x93: {  	s3 =	sld [smem:$0x3FFC];
	_ =	sdelay $0x3  }
0x94: {  	_ =	strace s3  }
0x95: {  	s3 =	sld [smem:$0x3FFD];
	_ =	sdelay $0x3  }
0x96: {  	_ =	strace s3  }
0x97: {  	_ =	strace $0x8FFFFFFF  }
0x98: {  	s19 =	sld [smem:$0x3FDB];
	_ =	sdelay $0x1  }
0x99: {  	s4 =	simm.s32 $_scs_section_size  }
0x9a: {  	s5 =	simm.s32 $_size__tile_overlayer_lowered;
	s6 =	simm.s32 $_tile_overlayer_lowered  }
0x9b: {  	s22 =	simm.s32 $0x1BFF;
	s21 =	sshll.u32 s6, $0x1;
	s3 =	sadd.s32 s4, s19  }
0x9c: {  	s7 =	simm.s32 $0x0;
	s20 =	sshll.u32 s5, $0x1;
	s5 =	sadd.s32 s21, s3  }
0x9d: {  	[timem:s7], [sflag:s22] =	dma.local [hbm:s5], s20  }
0x9e: {  	_ =	swait.ge [sflag:s22], s20  }
0x9f: {  	s4 =	ssub.s32 $0x0, s20;
	[sflag:s22] =	ssyncset.done $0x0  }
0xa0: {  	[sflag:s22] =	ssyncadd.s32 s4;
	_ =	sdelay $0x1  }
0xa1: {  	s23 =	simm.s32 $0x1B8B  }
0xa2: {  	_ =	swait.ge [sflag:s23], $0x1  }
0xa3: {  	[sflag:s23] =	ssyncset.done $0x0  }
0xa4: {  	s25 =	simm.s32 $0x1B8E;
	s24 =	sld [smem:$0x3FFE];
	[sflag:s23] =	ssyncadd.s32 $0xFFFFFFFF  }
0xa5: {  	s26 =	simm.s32 $execute0_lowered;
	[smem:$0x3FD2] =	sst s25  }
0xa6: {  	s5 =	sshll.u32 s26, $0x1;
	_ =	strace $0x80000046;
	[dreg:$0x1] =	wrdreg $0xFFFFFFFF  }
0xa7: {  	s28 =	simm.s32 $_size_execute0_lowered;
	s3 =	sadd.s32 s3, s5;
	[dreg:$0x0] =	wrdreg $0x0  }
0xa8: {  	s5 =	sshll.u32 s28, $0x1;
	[dreg:$0x2] =	wrdreg s3  }
0xa9: {  	[dreg:$0x3] =	wrdreg s5  }
0xaa: {  	[dreg:$0x4] =	wrdreg $0xC0  }
0xab: {  	_ =	task [dreg:s7], $0x5FFFF  }
0xac: {  	[dreg:$0x1] =	wrdreg $0xFFFFFFFF  }
0xad: {  	[dreg:$0x0] =	wrdreg $0x60  }
0xae: {  	[dreg:$0x2] =	wrdreg s24  }
0xaf: {  	[dreg:$0x3] =	wrdreg s2  }
0xb0: {  	[dreg:$0x4] =	wrdreg $0x9  }
0xb1: {  	_ =	task.clear_ibuf [dreg:s7], $0x5FFFF;
	_ =	strace $0x90000046  }
0xb2: {  	s29 =	simm.s32 $0x9;
	_ =	strace $0x80000048  }
0xb3: {  	_ =	swait.ge [sflag:s29], $0x1  }
0xb4: {  	[sflag:s29] =	ssyncadd.s32 $0xFFFFFFFF  }
0xb5: {  	_ =	strace $0x90000048  }
0xb6: {  	_ =	sfence  }
0xb7: {  	s30 =	sld [smem:$0x0];
	_ =	sdelay $0x2  }
0xb8: {  	s31 =	sshll.u32 s1, $0xD;
	s1 =	sshrl.u32 s1, $0x2  }
0xb9: {  	s3 =	sand.u32 $0x4000, s31;
	s1 =	sadd.s32 s1, s30  }
0xba: {  	s0 =	sor.u32 s3, s0;
	s1 =	sshll.u32 s1, $0x11  }
0xbb: {  	s0 =	sor.u32 s1, s0  }
0xbc: {  	s0 =	sadd.s32 $0x8F2B, s0  }
0xbd: {  	[sflag:s0] =	ssyncadd.remote.s32 $0x1  }
0xbe: {  	_ =	sfence.sel $0xFFFF  }
0xbf: {  	[dreg:$0x0] =	wrdreg $0xFFFFFFFF;
	(pc) =	sbr.abs _section_cstart, $3  }
0xc0: {  	[dreg:$0x1] =	wrdreg $0xFFFFFFFF  }
0xc1: {  	_ =	task.clear_ibuf [dreg:s7], $0x2FFFF;
	_ =	strace $0x9FFFFFFF  }
0xc2: {  	(tm) =	ssettm $0x7FFFFFFF  }
0xc3: {  	_ =	shalt  }
tec
execute0_lowered:
.L_overlay_start_1:
0x0: {  	(tag) =	ssettag $0x1  }
0x1: {  	s7 =	rddreg [dreg:$0x0]  }
0x2: {  	s1 =	rddreg [dreg:$0x1]  }
0x3: {  	s0 =	rddreg [dreg:$0x2];
	s2 =	simm.s32 $0x0;
	s3 =	srdreg.scid  }
0x4: {  	s12 =	simm.s32 $0x500;
	s13 =	simm.s32 $0xA00;
	s14 =	simm.s32 $0x1400  }
0x5: {  	s15 =	simm.s32 $0x0;
	[smem:$0x7FF] =	sst s2;
	s8 =	sand.u32 $0x1, s3  }
0x6: {  	s4 =	sadd.s32 $0x5C800, s7;
	s3 =	stileid.u32;
	s5 =	sadd.s32 $0x2EC00, s7  }
0x7: {  	s6 =	sadd.s32 $0x1000, s7;
	s7 =	sadd.s32 $0x8A400, s7;
	s9 =	ssub.s32 $0x2, s8  }
0x8: {  	_ =	strace $0x80000047;
	s11 =	sshll.u32 s3, $0x1;
	s10 =	sshrl.u32 s9, $0x1  }
0x9: {  	s8 =	sor.u32 s8, s11;
	s11 =	simm.s32 $0x1;
	s9 =	ssub.s32 s9, s10  }
0xa: {  	s8 =	smul.u32 $0xB6D0, s8;
	s10 =	simm.s32 $0x14000;
	s9 =	smax.u32 s9, $0x1  }
.LBB2_1:
0xb: {  	[tilespmem:s10], [sflag:$0x1] =	stream.linear.gather [hbm4b:s7+s2], $0x180, $0x38;
	[tilespmem:$0x14180] =	vst v63  }
0xc: {  	_ =	swait.ge [sflag:s11], $0x180  }
0xd: {  	[sflag:s11] =	ssyncset.done $0x0  }
0xe: {  	[sflag:s11] =	ssyncadd.s32 $0xFFFFFE80  }
0xf: {  	v0 =	vld [tilespmem:$0x14000]  }
0x10: {  	v1 =	vld [tilespmem:$0x14010]  }
0x11: {  	v2 =	vld [tilespmem:$0x14020]  }
0x12: {  	v3 =	vld [tilespmem:$0x14030]  }
0x13: {  	v4 =	vld [tilespmem:$0x14040]  }
0x14: {  	v5 =	vld [tilespmem:$0x14050]  }
0x15: {  	v6 =	vld [tilespmem:$0x14060]  }
0x16: {  	v7 =	vld [tilespmem:$0x14070]  }
0x17: {  	v8 =	vld [tilespmem:$0x14080]  }
0x18: {  	v9 =	vld [tilespmem:$0x14090]  }
0x19: {  	v10 =	vld [tilespmem:$0x140A0]  }
0x1a: {  	v11 =	vld [tilespmem:$0x140B0]  }
0x1b: {  	v12 =	vld [tilespmem:$0x140C0]  }
0x1c: {  	v13 =	vld [tilespmem:$0x140D0]  }
0x1d: {  	v14 =	vld [tilespmem:$0x140E0]  }
0x1e: {  	v15 =	vld [tilespmem:$0x140F0]  }
0x1f: {  	v16 =	vld [tilespmem:$0x14100]  }
0x20: {  	v17 =	vld [tilespmem:$0x14110]  }
0x21: {  	v18 =	vld [tilespmem:$0x14120]  }
0x22: {  	s16 =	simm.s32 $0x0;
	v19 =	vld [tilespmem:$0x14130]  }
.LBB2_2:
0x23: {  	s17 =	smul.u32 $0x4B0, s16;
	_ =	sdelay $0x1  }
0x24: {  	s17 =	sadd.s32 s8, s17  }
0x25: {  	s18 =	sshrl.u32 s17, $0x3  }
0x26: {  	s20 =	simm.s32 $0x0;
	s19 =	sadd.s32 s4, s18  }
0x27: {  	[tilespmem:s20], [sflag:$0x1] =	stream.linear.gather [hbm4b:s19+s20], $0x4B0, $0x38;
	[tilespmem:$0x14180] =	vst v63  }
0x28: {  	_ =	swait.ge [sflag:s11], $0x4B0  }
0x29: {  	[sflag:s11] =	ssyncset.done $0x0  }
0x2a: {  	s31 =	sadd.s32 s5, s18;
	[sflag:s11] =	ssyncadd.s32 $0xFFFFFB50  }
0x2b: {  	[tilespmem:s12], [sflag:$0x1] =	stream.linear.gather [hbm4b:s31+s20], $0x4B0, $0x38;
	[tilespmem:$0x14180] =	vst v63  }
0x2c: {  	_ =	swait.ge [sflag:s11], $0x4B0  }
0x2d: {  	[sflag:s11] =	ssyncset.done $0x0  }
0x2e: {  	s18 =	sadd.s32 s6, s18;
	[sflag:s11] =	ssyncadd.s32 $0xFFFFFB50  }
0x2f: {  	[tilespmem:s13], [sflag:$0x1] =	stream.linear.gather [hbm4b:s18+s20], $0x4B0, $0x38;
	[tilespmem:$0x14180] =	vst v63  }
0x30: {  	_ =	swait.ge [sflag:s11], $0x4B0  }
0x31: {  	[sflag:s11] =	ssyncset.done $0x0  }
0x32: {  	s18 =	simm.s32 $0x0;
	[sflag:s11] =	ssyncadd.s32 $0xFFFFFB50  }
0x33: {  	v21 =	vld [tilespmem:s18+$0xA00]  }
0x34: {  	v20 =	vld [tilespmem:s18+$0x0];
	_ =	sdelay $0x3  }
0x35: {  	v22 =	vmul.f32 $0.0e+00, v21  }
0x36: {  	v23 =	vmul.f32 v21, v20  }
0x37: {  	s19 =	simm.s32 $0x10;
	v21 =	vsub.f32 $1.000000000e+00, v21;
	[tilespmem:s18+$0xA00] =	vst v22  }
0x38: {  	s20 =	simm.s32 $0x80;
	v20 =	vld [tilespmem:s19+$0xA00];
	[tilespmem:s18+$0x0] =	vst v23  }
.LBB2_3:
0x39: {  	p0 =	sne.s32 s20, $0x1280;
	v22 =	vld [tilespmem:s19+$0x0];
	[tilespmem:s18+$0xF00] =	vst v21;
	s18 =	smov.u32 s19;
	_ =	sdelay $0x2  }
.Ltmp0:
0x3a: {  	(pc) =	sbr.rel @p0 .LBB2_3-.Ltmp0, $4  }
0x3b: {  	v21 =	vsub.f32 $1.000000000e+00, v20;
	v23 =	vmul.f32 $0.0e+00, v20  }
0x3c: {  	v22 =	vmul.f32 v20, v22  }
0x3d: {  	s19 =	sshra.s32 s20, $0x2;
	[tilespmem:s18+$0xA00] =	vst v23  }
0x3e: {  	s20 =	sadd.s32 $0x40, s20;
	v20 =	vld [tilespmem:s19+$0xA00];
	[tilespmem:s18+$0x0] =	vst v22  }
0x3f: {  	v22 =	vld [tilespmem:s19+$0x0];
	_ =	sdelay $0x3  }
0x40: {  	v23 =	vmul.f32 $0.0e+00, v20  }
0x41: {  	[tilespmem:s18+$0xF00] =	vst v21;
	v21 =	vmul.f32 v20, v22  }
0x42: {  	v20 =	vsub.f32 $1.000000000e+00, v20;
	[tilespmem:s19+$0xA00] =	vst v23  }
0x43: {  	[tilespmem:s19+$0x0] =	vst v21  }
0x44: {  	s31 =	simm.s32 $0x1;
	[tilespmem:s19+$0xF00] =	vst v20  }
0x45: {  	v20 =	vld.msk [tilespmem:s31+$0x4FF ss:$0x0], $0xffff;
	_ =	sdelay $0x1  }
0x46: {  	v21 =	vld.msk [tilespmem:s31+$0xFFFFFFFF ss:$0x0], $0xffff;
	_ =	sdelay $0x1  }
0x47: {  	v22 =	vld.msk [tilespmem:s31+$0xEFF ss:$0x0], $0xffff  }
0x48: {  	v23 =	vmul.f32 v20, v0;
	v24 =	vmul.f32 v20, v1  }
0x49: {  	v26 =	vld.msk [tilespmem:s31+$0x9FF ss:$0x0], $0xffff;
	v25 =	vmul.f32 v20, v2;
	v20 =	vmul.f32 v20, v3  }
0x4a: {  	v27 =	vmul.f32 v21, v6;
	v28 =	vmul.f32 v21, v7  }
0x4b: {  	v29 =	vmul.f32 v21, v4;
	v21 =	vmul.f32 v21, v5;
	v25 =	vadd.f32 v25, v18  }
0x4c: {  	v30 =	vmul.f32 v22, v11;
	v57 =	vmul.f32 v22, v10;
	v23 =	vadd.f32 v23, v16  }
0x4d: {  	v58 =	vmul.f32 v22, v8;
	v20 =	vadd.f32 v20, v19;
	v25 =	vadd.f32 v27, v25  }
0x4e: {  	v60 =	vmul.f32 v26, v14;
	v24 =	vadd.f32 v24, v17;
	v23 =	vadd.f32 v29, v23  }
0x4f: {  	v61 =	vmul.f32 v26, v12;
	v20 =	vadd.f32 v28, v20;
	v59 =	vadd.f32 v57, v25  }
0x50: {  	v22 =	vmul.f32 v22, v9;
	v21 =	vadd.f32 v21, v24;
	v23 =	vadd.f32 v58, v23  }
0x51: {  	v62 =	vmul.f32 v26, v15;
	v20 =	vadd.f32 v30, v20;
	v24 =	vadd.f32 v60, v59  }
0x52: {  	s19 =	simm.s32 $0x1440;
	v63 =	vmul.f32 v26, v13;
	v21 =	vadd.f32 v22, v21;
	v23 =	vadd.f32 v61, v23  }
0x53: {  	v20 =	vadd.f32 v62, v20;
	[tilespmem:s19+$0xFFFFFFE0] =	vst v24  }
0x54: {  	v21 =	vadd.f32 v63, v21;
	[tilespmem:s19+$0xFFFFFFC0] =	vst v23  }
0x55: {  	[tilespmem:s19+$0xFFFFFFF0] =	vst v20  }
0x56: {  	[tilespmem:s19+$0xFFFFFFD0] =	vst v21  }
0x57: {  	v23 =	vld.msk [tilespmem:s31+$0x500 ss:$0x0], $0xffff  }
0x58: {  	v22 =	vld.msk [tilespmem:s31+$0x0 ss:$0x0], $0xffff  }
0x59: {  	v21 =	vld.msk [tilespmem:s31+$0xF00 ss:$0x0], $0xffff  }
0x5a: {  	s20 =	simm.s32 $0xC;
	s18 =	simm.s32 $0x1440;
	v20 =	vld.msk [tilespmem:s31+$0xA00 ss:$0x0], $0xffff  }
.LBB2_5:
0x5b: {  	p0 =	sne.s32 s20, $0x12BC  }
0x5c: {  	s19 =	sadd.s32 $0x80, s19;
	s21 =	smov.u32 s20;
	s20 =	sadd.s32 $0x8, s20  }
0x5d: {  	_ = 	snop  }
0x5e: {  	v24 =	vmul.f32 v23, v0;
	v25 =	vmul.f32 v23, v1  }
0x5f: {  	v27 =	vmul.f32 v23, v2;
	v26 =	vmul.f32 v22, v4  }
0x60: {  	v24 =	vadd.f32 v24, v16;
	v28 =	vmul.f32 v21, v8;
	v25 =	vadd.f32 v25, v17  }
0x61: {  	v23 =	vmul.f32 v23, v3;
	v29 =	vmul.f32 v22, v6;
	v27 =	vadd.f32 v27, v18  }
0x62: {  	v24 =	vadd.f32 v26, v24;
	v26 =	vmul.f32 v22, v5;
	v22 =	vmul.f32 v22, v7  }
0x63: {  	v30 =	vmul.f32 v20, v12;
	v27 =	vadd.f32 v29, v27;
	v29 =	vmul.f32 v21, v10  }
0x64: {  	s21 =	sshra.s32 s21, $0x2;
	v23 =	vadd.f32 v23, v19;
	v24 =	vadd.f32 v28, v24;
	v28 =	vmul.f32 v20, v14  }
0x65: {  	v25 =	vadd.f32 v26, v25;
	v26 =	vmul.f32 v21, v9;
	v27 =	vadd.f32 v29, v27  }
0x66: {  	v22 =	vadd.f32 v22, v23;
	v21 =	vmul.f32 v21, v11;
	v24 =	vadd.f32 v30, v24  }
0x67: {  	v23 =	vadd.f32 v26, v25;
	v25 =	vmul.f32 v20, v13;
	v26 =	vadd.f32 v28, v27  }
0x68: {  	v21 =	vadd.f32 v21, v22;
	v20 =	vmul.f32 v20, v15;
	[tilespmem:s18+$0x0] =	vst v24  }
0x69: {  	v22 =	vadd.f32 v25, v23;
	[tilespmem:s18+$0x20] =	vst v26  }
0x6a: {  	v20 =	vadd.f32 v20, v21  }
0x6b: {  	[tilespmem:s18+$0x10] =	vst v22  }
0x6c: {  	[tilespmem:s18+$0x30] =	vst v20;
	s18 =	smov.u32 s19  }
0x6d: {  	v20 =	vld.msk [tilespmem:s21+$0x4FF ss:$0x0], $0xffff;
	_ =	sdelay $0x1  }
0x6e: {  	v21 =	vld.msk [tilespmem:s21+$0xFFFFFFFF ss:$0x0], $0xffff;
	_ =	sdelay $0x1  }
0x6f: {  	v22 =	vld.msk [tilespmem:s21+$0xEFF ss:$0x0], $0xffff;
	_ =	sdelay $0x1  }
0x70: {  	v23 =	vmul.f32 v20, v0;
	v24 =	vmul.f32 v20, v1  }
0x71: {  	v26 =	vmul.f32 v20, v2;
	v20 =	vmul.f32 v20, v3;
	v25 =	vld.msk [tilespmem:s21+$0x9FF ss:$0x0], $0xffff  }
0x72: {  	v23 =	vadd.f32 v23, v16;
	v27 =	vmul.f32 v21, v6;
	v28 =	vmul.f32 v21, v7  }
0x73: {  	v29 =	vmul.f32 v21, v4;
	v26 =	vadd.f32 v26, v18;
	v20 =	vadd.f32 v20, v19  }
0x74: {  	v24 =	vadd.f32 v24, v17;
	v21 =	vmul.f32 v21, v5;
	v30 =	vmul.f32 v22, v11  }
0x75: {  	v26 =	vadd.f32 v27, v26;
	v27 =	vmul.f32 v22, v10;
	v20 =	vadd.f32 v28, v20  }
0x76: {  	v23 =	vadd.f32 v29, v23;
	v28 =	vmul.f32 v22, v8;
	v21 =	vadd.f32 v21, v24  }
0x77: {  	v26 =	vadd.f32 v27, v26;
	v24 =	vmul.f32 v25, v12;
	v27 =	vmul.f32 v25, v14  }
0x78: {  	v22 =	vmul.f32 v22, v9;
	v23 =	vadd.f32 v28, v23;
	v28 =	vmul.f32 v25, v15  }
0x79: {  	v20 =	vadd.f32 v30, v20;
	v25 =	vmul.f32 v25, v13;
	v26 =	vadd.f32 v27, v26  }
0x7a: {  	v21 =	vadd.f32 v22, v21;
	v23 =	vadd.f32 v24, v23  }
0x7b: {  	v20 =	vadd.f32 v28, v20;
	[tilespmem:s19+$0xFFFFFFE0] =	vst v26  }
0x7c: {  	v21 =	vadd.f32 v25, v21;
	[tilespmem:s19+$0xFFFFFFC0] =	vst v23  }
0x7d: {  	[tilespmem:s19+$0xFFFFFFF0] =	vst v20  }
.Ltmp1:
0x7e: {  	[tilespmem:s19+$0xFFFFFFD0] =	vst v21;
	(pc) =	sbr.rel @p0 .LBB2_5-.Ltmp1, $4  }
0x7f: {  	v23 =	vld.msk [tilespmem:s21+$0x500 ss:$0x0], $0xffff  }
0x80: {  	v22 =	vld.msk [tilespmem:s21+$0x0 ss:$0x0], $0xffff  }
0x81: {  	v21 =	vld.msk [tilespmem:s21+$0xF00 ss:$0x0], $0xffff  }
0x82: {  	v20 =	vld.msk [tilespmem:s21+$0xA00 ss:$0x0], $0xffff  }
0x83: {  	_ = 	snop  }
0x84: {  	v24 =	vmul.f32 v23, v0;
	v25 =	vmul.f32 v23, v1  }
0x85: {  	v26 =	vmul.f32 v23, v2;
	v53 =	vmul.f32 v23, v3  }
0x86: {  	v27 =	vmul.f32 v22, v4;
	v29 =	vmul.f32 v22, v6  }
0x87: {  	v54 =	vmul.f32 v22, v5;
	v55 =	vmul.f32 v22, v7;
	v24 =	vadd.f32 v24, v16  }
0x88: {  	v28 =	vmul.f32 v21, v8;
	v25 =	vadd.f32 v25, v17;
	v26 =	vadd.f32 v26, v18  }
0x89: {  	v56 =	vmul.f32 v21, v10;
	v23 =	vadd.f32 v53, v19;
	v24 =	vadd.f32 v27, v24  }
0x8a: {  	v58 =	vmul.f32 v21, v9;
	v59 =	vmul.f32 v21, v11;
	v26 =	vadd.f32 v29, v26  }
0x8b: {  	v30 =	vmul.f32 v20, v12;
	v25 =	vadd.f32 v54, v25;
	v24 =	vadd.f32 v28, v24  }
0x8c: {  	v57 =	vmul.f32 v20, v14;
	v22 =	vadd.f32 v55, v23;
	v26 =	vadd.f32 v56, v26  }
0x8d: {  	v62 =	vmul.f32 v20, v13;
	v61 =	vadd.f32 v58, v25;
	v60 =	vadd.f32 v30, v24  }
0x8e: {  	v20 =	vmul.f32 v20, v15;
	v21 =	vadd.f32 v59, v22;
	v26 =	vadd.f32 v57, v26  }
0x8f: {  	v63 =	vadd.f32 v62, v61;
	[tilespmem:s18+$0x0] =	vst v60  }
0x90: {  	s16 =	sadd.s32 $0x1, s16;
	v20 =	vadd.f32 v20, v21;
	[tilespmem:s18+$0x20] =	vst v26  }
0x91: {  	s17 =	sshll.u32 s17, $0x3;
	p0 =	sne.s32 s16, $0x27;
	[tilespmem:s18+$0x10] =	vst v63  }
.Ltmp2:
0x92: {  	s17 =	sadd.s32 s1, s17;
	[tilespmem:s18+$0x30] =	vst v20;
	(pc) =	sbr.rel @p0 .LBB2_2-.Ltmp2, $4  }
0x93: {  	[hbm4b:s17+s2] =	stream.linear.scatter [tilespmem:s14], [sflag:$0x1], $0x12C00, $0x38;
	[tilespmem:$0x14180] =	vst v63  }
0x94: {  	_ =	swait.ge [sflag:s11], $0x12C00  }
0x95: {  	[sflag:s11] =	ssyncset.done $0x0  }
0x96: {  	[sflag:s11] =	ssyncadd.s32 $0xFFFED400  }
0x97: {  	s15 =	sadd.s32 $0x1, s15  }
0x98: {  	p0 =	sne.s32 s15, s9  }
.Ltmp3:
0x99: {  	_ = 	snop;
	(pc) =	sbr.rel @p0 .LBB2_1-.Ltmp3, $1  }
0x9a: {  	_ =	sdelay $0x3  }
0x9b: {  	_ =	sfence.sel $0x180000  }
0x9c: {  	[bflag:$0x0] =	sbarrier.arrive $0xFFFF  }
0x9d: {  	p0 =	sne.s32 s3, $0x0;
	_ =	strace $0x90000047  }
0x9e: {  	s0 =	sadd.s32 @!p0 $0x100000, s0;
	[bflag:$0x2] =	sbarrier.arrive $0xFFFF  }
0x9f: {  	[sflag:s0] =	ssyncadd.tile.s32 @!p0 $0x1;
	_ =	shalt  }
.Lfunc_end2:
_tile_overlayer_lowered:
.L_overlay_start_2:
0xa0: {  	(tag) =	ssettag $0x2  }
0xa1: {  	s0 =	rddreg [dreg:$0x0];
	s2 =	stileid.u32  }
0xa2: {  	s1 =	rddreg [dreg:$0x1];
	p0 =	sne.s32 s2, $0x0  }
0xa3: {  	s3 =	rddreg [dreg:$0x2];
	[bflag:$0x3] =	sbarrier.arrive $0xFFFF;
	s2 =	simm.s32 @!p0 $0x1C01  }
0xa4: {  	[timem:s3], [sflag:s2] =	dma.local @!p0 [hbm:s0], s1  }
0xa5: {  	s0 =	simm.s32 @!p0 $0x1  }
0xa6: {  	_ =	swait.ge @!p0 [sflag:s0], s1  }
0xa7: {  	s1 =	ssub.s32 @!p0 $0x0, s1;
	[sflag:s0] =	ssyncset.done @!p0 $0x0  }
0xa8: {  	[sflag:s0] =	ssyncadd.s32 @!p0 s1  }
0xa9: {  	[bflag:$0x3] =	sbarrier.arrive $0xFFFF  }
0xaa: {  	_ =	shalt  }

// kernel: sparse-core-data-format-call.cloned.1.call-start
scs
called_computation_lowered:
.L_overlay_start_0:
0x0: {  	s2 =	sld [smem:$0x3FD9]  }
0x1: {  	s3 =	sld [smem:$0x3FFE];
	_ =	sdelay $0x1  }
0x2: {  	s1 =	srdreg.scid  }
0x3: {  	s0 =	sand.u32 $0x1, s1  }
0x4: {  	s18 =	sshll.u32 s0, $0xA;
	s2 =	sadd.s32 s3, s2  }
0x5: {  	s2 =	sadd.s32 s2, s18  }
0x6: {  	[smem:$0x3FC0] =	sst s2  }
0x7: {  	_ = 	snop  }
0x8: {  	s2 =	sld [smem:$0x3FD0];
	(tm) =	ssettm $0x1  }
0x9: {  	s19 =	sld [smem:$0x3FFB];
	_ =	sdelay $0x3  }
0xa: {  	_ =	strace s19  }
0xb: {  	s3 =	sld [smem:$0x3FFC];
	_ =	sdelay $0x3  }
0xc: {  	_ =	strace s3  }
0xd: {  	s3 =	sld [smem:$0x3FFD];
	_ =	sdelay $0x3  }
0xe: {  	_ =	strace s3  }
0xf: {  	_ =	strace $0x8FFFFFFF  }
0x10: {  	s20 =	sld [smem:$0x3FDB];
	_ =	sdelay $0x1  }
0x11: {  	s4 =	simm.s32 $_scs_section_size  }
0x12: {  	s5 =	simm.s32 $_size__tile_overlayer_lowered;
	s6 =	simm.s32 $_tile_overlayer_lowered  }
0x13: {  	s23 =	simm.s32 $0x1BFF;
	s22 =	sshll.u32 s6, $0x1;
	s3 =	sadd.s32 s4, s20  }
0x14: {  	s7 =	simm.s32 $0x0;
	s21 =	sshll.u32 s5, $0x1;
	s5 =	sadd.s32 s22, s3  }
0x15: {  	[timem:s7], [sflag:s23] =	dma.local [hbm:s5], s21  }
0x16: {  	_ =	swait.ge [sflag:s23], s21  }
0x17: {  	s4 =	ssub.s32 $0x0, s21;
	[sflag:s23] =	ssyncset.done $0x0  }
0x18: {  	[sflag:s23] =	ssyncadd.s32 s4;
	_ =	sdelay $0x1  }
0x19: {  	s24 =	simm.s32 $0x1B8B  }
0x1a: {  	_ =	swait.ge [sflag:s24], $0x1  }
0x1b: {  	[sflag:s24] =	ssyncset.done $0x0  }
0x1c: {  	s26 =	simm.s32 $0x1B8E;
	s25 =	sld [smem:$0x3FFE];
	[sflag:s24] =	ssyncadd.s32 $0xFFFFFFFF  }
0x1d: {  	s27 =	simm.s32 $execute0_lowered;
	[smem:$0x3FD2] =	sst s26  }
0x1e: {  	s5 =	sshll.u32 s27, $0x1;
	_ =	strace $0x80000049;
	[dreg:$0x1] =	wrdreg $0xFFFFFFFF  }
0x1f: {  	s28 =	simm.s32 $_size_execute0_lowered;
	s3 =	sadd.s32 s3, s5;
	[dreg:$0x0] =	wrdreg $0x0  }
0x20: {  	s5 =	sshll.u32 s28, $0x1;
	[dreg:$0x2] =	wrdreg s3  }
0x21: {  	[dreg:$0x3] =	wrdreg s5  }
0x22: {  	[dreg:$0x4] =	wrdreg $0xC0  }
0x23: {  	_ =	task [dreg:s7], $0x5FFFF  }
0x24: {  	[dreg:$0x1] =	wrdreg $0xFFFFFFFF  }
0x25: {  	[dreg:$0x0] =	wrdreg $0x60  }
0x26: {  	[dreg:$0x2] =	wrdreg s25  }
0x27: {  	[dreg:$0x3] =	wrdreg s2  }
0x28: {  	[dreg:$0x4] =	wrdreg $0x9  }
0x29: {  	_ =	task.clear_ibuf [dreg:s7], $0x5FFFF;
	_ =	strace $0x90000049  }
0x2a: {  	s29 =	simm.s32 $0x9;
	_ =	strace $0x8000004B  }
0x2b: {  	_ =	swait.ge [sflag:s29], $0x1  }
0x2c: {  	[sflag:s29] =	ssyncadd.s32 $0xFFFFFFFF  }
0x2d: {  	_ =	strace $0x9000004B  }
0x2e: {  	_ =	sfence  }
0x2f: {  	s30 =	sld [smem:$0x0];
	_ =	sdelay $0x2  }
0x30: {  	s31 =	sshll.u32 s1, $0xD;
	s1 =	sshrl.u32 s1, $0x2  }
0x31: {  	s3 =	sand.u32 $0x4000, s31;
	s1 =	sadd.s32 s1, s30  }
0x32: {  	s0 =	sor.u32 s3, s0;
	s1 =	sshll.u32 s1, $0x11  }
0x33: {  	s0 =	sor.u32 s1, s0  }
0x34: {  	s0 =	sadd.s32 $0x8F2B, s0  }
0x35: {  	[sflag:s0] =	ssyncadd.remote.s32 $0x1  }
0x36: {  	_ =	sfence.sel $0xFFFF  }
0x37: {  	[dreg:$0x0] =	wrdreg $0xFFFFFFFF;
	(pc) =	sbr.abs _section_cstart, $3  }
0x38: {  	[dreg:$0x1] =	wrdreg $0xFFFFFFFF  }
0x39: {  	_ =	task.clear_ibuf [dreg:s7], $0x2FFFF;
	_ =	strace $0x9FFFFFFF  }
0x3a: {  	(tm) =	ssettm $0x7FFFFFFF  }
0x3b: {  	_ =	shalt  }
tec
execute0_lowered:
.L_overlay_start_1:
0x0: {  	(tag) =	ssettag $0x1  }
0x1: {  	s3 =	rddreg [dreg:$0x0]  }
0x2: {  	s0 =	srdreg.scid;
	s2 =	rddreg [dreg:$0x1]  }
0x3: {  	s4 =	simm.s32 $0x1;
	s7 =	simm.s32 $0x2;
	s15 =	simm.s32 $0x0  }
0x4: {  	p0 =	por $0x0, $0x0;
	s8 =	simm.s32 $0xC00;
	s1 =	sand.u32 $0x1, s0  }
0x5: {  	s13 =	simm.s32 $0x0;
	s14 =	simm.s32 $0x0;
	s5 =	ssub.s32 $0x120, s1  }
.Ltmp0:
0x6: {  	s9 =	simm.s32 $0x0;
	s6 =	sshrl.u32 s5, $0x1;
	(pc) =	sbr.rel .LBB1_1-.Ltmp0, $4  }
0x7: {  	s0 =	rddreg [dreg:$0x2];
	_ =	strace $0x8000004A;
	s5 =	ssub.s32 s5, s6  }
0x8: {  	s11 =	stileid.u32;
	[sflag:s4] =	ssyncpa.u1 $0x0;
	s5 =	smul.u32 $0x3, s5  }
0x9: {  	s12 =	simm.s32 $0x0;
	s10 =	smov.u32 s1;
	[sflag:s7] =	ssyncpa.u1 $0x0  }
0xa: {  	s6 =	sadd.s32 $0x1000, s3;
	s3 =	stileid.u32;
	s7 =	sadd.s32 $0x1, s5  }
.LBB1_4:
0xb: {  	s18 =	sshll.u32 s15, $0x3  }
0xc: {  	s30 =	sand.u32 $0x7F, s15;
	s18 =	sand.u32 $0xFFFFFC00, s18  }
0xd: {  	s15 =	sor.u32 s30, s18  }
0xe: {  	s19 =	smulhi.u32 $0xAAAAAAAB, s15  }
0xf: {  	s18 =	smulhi.u32 $0xAAAAAAAB, s18  }
0x10: {  	s14 =	smul.u32 $0xD8000, s14;
	s19 =	sshrl.u32 s19, $0x8  }
0x11: {  	s18 =	sshrl.u32 s18, $0x8;
	s19 =	smul.u32 $0x180, s19  }
0x12: {  	s13 =	smul.u32 $0xC00, s13;
	s18 =	sand.u32 $0x3F, s18  }
0x13: {  	s14 =	sadd.s32 s2, s14;
	s18 =	smul.u32 $0x30, s18;
	s15 =	ssub.s32 s15, s19  }
0x14: {  	[tilespmem:s17+$0x810 ss:$0x81] =	vst.msk $0xffff, v2;
	s13 =	sadd.s32 s13, s14;
	s31 =	sand.u32 $0x7, s15  }
0x15: {  	[tilespmem:s17+$0x1020 ss:$0x81] =	vst.msk $0xffff, v0;
	s13 =	sadd.s32 s18, s13;
	s15 =	sshrl.u32 s15, $0x3;
	s14 =	sshll.u32 s31, $0x12  }
0x16: {  	[tilespmem:s17+$0x0 ss:$0x81] =	vst.msk $0xffff, v1;
	s13 =	sadd.s32 s15, s13;
	s14 =	sor.u32 $0x400, s14  }
0x17: {  	[hbm4b:s13+s14] =	stream.strided.scatter [tilespmem:s16], [sflag:$0x2], $0x2000, s8, s14, $0x20;
	[tilespmem:$0x8080] =	vst v63  }
.LBB1_5:
0x18: {  	s16 =	sadd.s32 $0x80, s9  }
0x19: {  	s13 =	sadd.s32 $0x2, s10;
	s17 =	smov.u32 s10;
	p2 =	sgt.s32 s16, $0x144  }
0x1a: {  	s17 =	smov.u32 @p2 s13  }
0x1b: {  	s19 =	smov.u32 s11;
	s13 =	sadd.s32 $0x10, s11;
	p3 =	sgt.s32 s17, $0x11F  }
0x1c: {  	s19 =	smov.u32 @p3 s13  }
0x1d: {  	s16 =	simm.s32 @p2 $0x0;
	p2 =	sgt.s32 s19, $0xF  }
0x1e: {  	p1 =	slt.u32 s12, $0x2;
	s19 =	smov.u32 @p2 s3;
	p2 =	sne.s32 s12, s7  }
.Ltmp1:
0x1f: {  	s18 =	simm.s32 @!p1 $0x2;
	(pc) =	sbr.rel @!p2 .LBB1_6-.Ltmp1, $4  }
0x20: {  	s15 =	smov.u32 s9;
	s14 =	smov.u32 s11;
	_ =	swait.ge @!p1 [sflag:s18], $0x2000  }
0x21: {  	p0 =	por !p0, !p0;
	[sflag:s18] =	ssyncset.done @!p1 $0x0;
	s9 =	smov.u32 s16  }
0x22: {  	s17 =	smov.u32 @p3 s1;
	s13 =	smov.u32 s10;
	[sflag:s18] =	ssyncadd.s32 @!p1 $0xFFFFE000  }
0x23: {  	s10 =	smov.u32 s17;
	s12 =	sadd.s32 $0x1, s12;
	s11 =	smov.u32 s19  }
.LBB1_1:
0x24: {  	p1 =	sge.u32 s12, s5;
	s18 =	smov.u32 s11  }
0x25: {  	s20 =	smov.u32 s10;
	s16 =	sand.u32 @!p1 $0x1FFFFFF, s9;
	p2 =	sgt.s32 @!p1 s11, $0xF  }
0x26: {  	s19 =	sshra.s32 @!p1 s11, $0x1F;
	s21 =	sshra.s32 @!p1 s10, $0x1F;
	p2 =	por !p2, p1  }
0x27: {  	s17 =	smulhi.u32 @!p1 $0x18F9C19, s16;
	s18 =	simm.s32 @p2 $0xF;
	p2 =	sgt.s32 @!p1 s10, $0x11F  }
0x28: {  	s19 =	sand.u32 @!p1 s19, s11;
	s21 =	sand.u32 @!p1 s21, s10;
	p2 =	por !p2, p1  }
0x29: {  	s17 =	sshrl.u32 @!p1 s17, $0x1;
	s18 =	ssub.s32 @!p1 s18, s19;
	s20 =	simm.s32 @p2 $0x11F  }
0x2a: {  	p2 =	sgt.s32 @!p1 s9, $0xC8;
	s18 =	sadd.s32 @!p1 $0xFFFFFFF1, s18;
	s19 =	ssub.s32 @!p1 s20, s21  }
0x2b: {  	p2 =	por !p2, p1;
	s21 =	smov.u32 s9;
	s20 =	sadd.s32 @!p1 $0xFFFFFEE1, s19  }
0x2c: {  	s21 =	simm.s32 @p2 $0xC8;
	p3 =	sgt.s32 @!p1 s20, $0x0;
	s20 =	sshra.s32 @!p1 s9, $0x1F  }
0x2d: {  	p2 =	sgt.s32 @!p1 s18, $0x0;
	s18 =	sshll.u32 @!p1 s18, $0x6;
	s20 =	sand.u32 @!p1 s20, s9  }
0x2e: {  	s19 =	ssub.s32 @!p1 $0x120, s19;
	s18 =	ssub.s32 @!p1 $0x40, s18;
	s20 =	ssub.s32 @!p1 s21, s20  }
0x2f: {  	p2 =	por !p2, p1;
	p3 =	por !p3, p1;
	s21 =	sadd.s32 @!p1 $0xFFFFFF38, s20  }
0x30: {  	s18 =	simm.s32 @!p2 $0x0;
	s19 =	simm.s32 @!p3 $0x0;
	p3 =	sgt.s32 @!p1 s21, $0x7F  }
0x31: {  	s20 =	ssub.s32 @!p1 $0x148, s20;
	s18 =	smul.u32 @!p1 s19, s18;
	p2 =	por !p3, p1  }
0x32: {  	s17 =	smul.u32 @!p1 $0x148, s17;
	s20 =	simm.s32 @!p2 $0x0  }
0x33: {  	s18 =	smul.u32 @!p1 s20, s18  }
0x34: {  	s31 =	sadd.s32 $0xFFFFFFFF, s12;
	s20 =	smul.u32 @!p1 $0x171000, s11  }
0x35: {  	s16 =	ssub.s32 @!p1 s16, s17;
	s19 =	sxor.u32 @!p1 $0xFFFFFFFF, s12;
	s21 =	smul.u32 @!p1 $0x1480, s10  }
0x36: {  	s16 =	sshll.u32 @!p1 s16, $0x4;
	s19 =	sshll.u32 @!p1 s19, $0xD;
	s17 =	sadd.s32 @!p1 s6, s20  }
0x37: {  	s19 =	sand.u32 @!p1 $0x2000, s19;
	s18 =	sand.u32 @!p1 $0x3FFFFFC0, s18;
	s17 =	sadd.s32 @!p1 s21, s17  }
0x38: {  	s20 =	simm.s32 @!p1 $0x80;
	s16 =	sadd.s32 @!p1 s16, s17;
	s17 =	simm.s32 @!p1 $0x40  }
0x39: {  	[tilespmem:s19], [sflag:$0x1] =	stream.strided.gather @!p1 [hbm4b:s16+s17], s18, s20, s17, $0x38;
	[tilespmem:$0x8080] =	vst v63  }
0x3a: {  	p1 =	sge.u32 s31, s5  }
.Ltmp2:
0x3b: {  	_ = 	snop;
	(pc) =	sbr.rel @p1 .LBB1_5-.Ltmp2, $1  }
0x3c: {  	_ =	sdelay $0x3  }
0x3d: {  	p1 =	sgt.s32 s14, $0xF  }
0x3e: {  	s16 =	smov.u32 s14;
	s17 =	sshra.s32 s14, $0x1F;
	s18 =	sshra.s32 s13, $0x1F  }
0x3f: {  	p2 =	sgt.s32 s15, $0xC8;
	s16 =	simm.s32 @!p1 $0xF;
	s17 =	sand.u32 s17, s14  }
0x40: {  	s20 =	sshra.s32 s15, $0x1F;
	p1 =	sgt.s32 s13, $0x11F;
	s16 =	ssub.s32 s16, s17  }
0x41: {  	s18 =	sand.u32 s18, s13;
	s17 =	smov.u32 s13;
	s16 =	sadd.s32 $0xFFFFFFF1, s16  }
0x42: {  	s26 =	sand.u32 s20, s15;
	s17 =	simm.s32 @!p1 $0x11F;
	p1 =	sgt.s32 s16, $0x0  }
0x43: {  	s17 =	ssub.s32 s17, s18;
	s18 =	smov.u32 s15;
	s16 =	sshll.u32 s16, $0x6  }
0x44: {  	s19 =	sadd.s32 $0xFFFFFEE1, s17;
	s18 =	simm.s32 @!p2 $0xC8;
	s17 =	ssub.s32 $0x120, s17  }
0x45: {  	s16 =	ssub.s32 $0x40, s16;
	p2 =	sgt.s32 s19, $0x0;
	s18 =	ssub.s32 s18, s26  }
0x46: {  	s16 =	simm.s32 @p1 $0x0;
	s17 =	simm.s32 @p2 $0x0;
	s19 =	sadd.s32 $0xFFFFFF38, s18  }
0x47: {  	s18 =	ssub.s32 $0x148, s18;
	p1 =	sgt.s32 s19, $0x7F;
	s16 =	smul.u32 s17, s16  }
0x48: {  	s18 =	simm.s32 @p1 $0x0  }
0x49: {  	s16 =	smul.u32 s18, s16;
	_ =	sdelay $0x1  }
0x4a: {  	s17 =	simm.s32 $0x1;
	s16 =	sand.u32 $0x3FFFFFC0, s16  }
0x4b: {  	s17 =	simm.s32 @!p0 $0x0;
	_ =	swait.ge [sflag:s4], s16  }
0x4c: {  	s27 =	sshll.u32 s17, $0xD;
	s16 =	ssub.s32 $0x0, s16;
	[sflag:s4] =	ssyncset.done $0x0  }
0x4d: {  	s28 =	sor.u32 $0x20, s27;
	[sflag:s4] =	ssyncadd.s32 s16  }
0x4e: {  	s29 =	smul.u32 $0x8100, s17;
	v3 =	vld [tilespmem:s28+$0x10]  }
0x4f: {  	s30 =	sand.u32 $0x1, s12;
	v2 =	vld [tilespmem:s28+$0xFFFFFFF0]  }
0x50: {  	s17 =	smul.u32 $0x8100, s30;
	s16 =	sshrl.u32 s29, $0x2;
	v0 =	vld [tilespmem:s28+$0x0]  }
0x51: {  	s18 =	sor.u32 $0x4000, s16;
	v1 =	vld [tilespmem:s28+$0xFFFFFFE0]  }
0x52: {  	s31 =	sshrl.u32 s17, $0x2;
	s17 =	sadd.s32 $0x0, s18  }
0x53: {  	s19 =	simm.s32 $0x4;
	s20 =	sadd.s32 $0x40, s28;
	s16 =	sor.u32 $0x4000, s31;
	[tilespmem:s17+$0x1830 ss:$0x81] =	vst.msk $0xffff, v3  }
.LBB1_3:
0x54: {  	v3 =	vld [tilespmem:s20+$0x10];
	p1 =	sne.s32 s19, $0x1FC;
	[tilespmem:s17+$0x810 ss:$0x81] =	vst.msk $0xffff, v2;
	s21 =	smov.u32 s19;
	s19 =	sadd.s32 $0x4, s19  }
.Ltmp3:
0x55: {  	v2 =	vld [tilespmem:s20+$0xFFFFFFF0];
	[tilespmem:s17+$0x1020 ss:$0x81] =	vst.msk $0xffff, v0;
	(pc) =	sbr.rel @p1 .LBB1_3-.Ltmp3, $4  }
0x56: {  	v0 =	vld [tilespmem:s20+$0x0];
	[tilespmem:s17+$0x0 ss:$0x81] =	vst.msk $0xffff, v1  }
0x57: {  	s17 =	sshra.s32 s21, $0x2;
	v1 =	vld [tilespmem:s20+$0xFFFFFFE0]  }
0x58: {  	s17 =	sadd.s32 s17, s18  }
0x59: {  	s20 =	sadd.s32 $0x40, s20;
	[tilespmem:s17+$0x1830 ss:$0x81] =	vst.msk $0xffff, v3  }
.Ltmp4:
0x5a: {  	_ = 	snop;
	(pc) =	sbr.rel .LBB1_4-.Ltmp4, $1  }
0x5b: {  	_ =	sdelay $0x3  }
.LBB1_6:
0x5c: {  	_ =	sfence.sel $0x180000  }
0x5d: {  	s1 =	simm.s32 $0x1;
	[bflag:$0x0] =	sbarrier.arrive $0xFFFF  }
0x5e: {  	s31 =	simm.s32 $0x2;
	[sflag:s1] =	ssyncpa.u1 $0x1  }
0x5f: {  	[sflag:s31] =	ssyncpa.u1 $0x1  }
0x60: {  	p0 =	sne.s32 s3, $0x0;
	_ =	strace $0x9000004A  }
0x61: {  	s0 =	sadd.s32 @!p0 $0x100000, s0;
	[bflag:$0x2] =	sbarrier.arrive $0xFFFF  }
0x62: {  	[sflag:s0] =	ssyncadd.tile.s32 @!p0 $0x1;
	_ =	shalt  }
.Lfunc_end1:
_tile_overlayer_lowered:
.L_overlay_start_2:
0x63: {  	(tag) =	ssettag $0x2  }
0x64: {  	s0 =	rddreg [dreg:$0x0];
	s2 =	stileid.u32  }
0x65: {  	s1 =	rddreg [dreg:$0x1];
	p0 =	sne.s32 s2, $0x0  }
0x66: {  	s3 =	rddreg [dreg:$0x2];
	[bflag:$0x3] =	sbarrier.arrive $0xFFFF;
	s2 =	simm.s32 @!p0 $0x1C01  }
0x67: {  	[timem:s3], [sflag:s2] =	dma.local @!p0 [hbm:s0], s1  }
0x68: {  	s0 =	simm.s32 @!p0 $0x1  }
0x69: {  	_ =	swait.ge @!p0 [sflag:s0], s1  }
0x6a: {  	s1 =	ssub.s32 @!p0 $0x0, s1;
	[sflag:s0] =	ssyncset.done @!p0 $0x0  }
0x6b: {  	[sflag:s0] =	ssyncadd.s32 @!p0 s1  }
0x6c: {  	[bflag:$0x3] =	sbarrier.arrive $0xFFFF  }
0x6d: {  	_ =	shalt  }

</sc_bundles>
